<compile_context>
chip_gen: v7x
topology: tpu7x:2x2x1
jax: 0.10.2.dev20260603
libtpu: 0.0.44.dev20260713+nightly
codegen_flags: <defaults>
</compile_context>

<pallas_src>
import functools

import jax
import jax.numpy as jnp
from jax import lax
from jax.experimental import pallas as pl
from jax.experimental.pallas import tpu as pltpu
from jax.experimental.pallas import tpu_sc as plsc

B = 16384
DIM = 64
C = 1000
D = 8
MARGIN = 0.1

TBL = 8192
NC = 2
NS = 16
NW = NC * NS
PER_TILE = B // NW
ROWS = PER_TILE // 128
SLICE = TBL // NS


def _dist_kernel(embt_ref, comp_ref, dose_ref, dist_ref, key_ref):
    et = embt_ref[...]
    s = jnp.sum(et, axis=1)
    mean = s * (1.0 / B)
    norm = jnp.sqrt(jnp.sum(mean * mean))
    u = mean / jnp.maximum(norm, 1e-12)
    v3 = et.reshape(DIM, 128, 128)
    dist_ref[...] = 1.0 - jnp.sum(v3 * u[:, None, None], axis=0)
    key_ref[...] = dose_ref[...] * 1024 + comp_ref[...]


def _segment_kernel(dist_hbm, key_hbm, sums_out, counts_out,
                    val_v, idx_v, ones_v, zrow_v, zrow2_v,
                    sh_sums, sh_counts):
    c = lax.axis_index("c")
    s = lax.axis_index("s")
    wid = c * NS + s

    def _zrow(i, _):
        zrow_v[pl.ds(i * 16, 16)] = jnp.zeros((16,), jnp.float32)
        return 0
    lax.fori_loop(0, SLICE // 16, _zrow, 0)
    for i in range(128 // 16):
        ones_v[pl.ds(i * 16, 16)] = jnp.ones((16,), jnp.float32)
    pltpu.sync_copy(zrow_v, sh_sums.at[pl.ds(s * SLICE, SLICE)])
    pltpu.sync_copy(zrow_v, sh_counts.at[pl.ds(s * SLICE, SLICE)])
    pltpu.sync_copy(dist_hbm.at[wid], val_v)
    pltpu.sync_copy(key_hbm.at[wid], idx_v)

    plsc.subcore_barrier()

    for j in range(ROWS):
        pltpu.sync_copy(val_v.at[j], sh_sums.at[idx_v.at[j]], add=True)
        pltpu.sync_copy(ones_v, sh_counts.at[idx_v.at[j]], add=True)

    plsc.subcore_barrier()

    off = c * TBL + s * SLICE
    pltpu.sync_copy(sh_sums.at[pl.ds(s * SLICE, SLICE)], zrow_v)
    pltpu.sync_copy(zrow_v, sums_out.at[pl.ds(off, SLICE)])
    pltpu.sync_copy(sh_counts.at[pl.ds(s * SLICE, SLICE)], zrow2_v)
    pltpu.sync_copy(zrow2_v, counts_out.at[pl.ds(off, SLICE)])


def _loss_kernel(sums_ref, counts_ref, out_ref):
    su = sums_ref[...]
    co = counts_ref[...]
    present = []
    means = []
    for d in range(D):
        s_d = su[d * 8:(d + 1) * 8, :] + su[64 + d * 8:64 + (d + 1) * 8, :]
        c_d = co[d * 8:(d + 1) * 8, :] + co[64 + d * 8:64 + (d + 1) * 8, :]
        p_d = c_d > 0.0
        present.append(p_d)
        means.append(jnp.where(p_d, s_d / jnp.maximum(c_d, 1.0), 0.0))
    ploss = jnp.zeros((8, 128), jnp.float32)
    pcnt = jnp.zeros((8, 128), jnp.float32)
    for dl in range(D - 1):
        for dh in range(dl + 1, D):
            valid = present[dl] & present[dh]
            for m in range(dl + 1, dh):
                valid = valid & jnp.logical_not(present[m])
            viol = MARGIN - (means[dh] - means[dl])
            ploss = ploss + jnp.where(valid, jnp.maximum(viol, 0.0), 0.0)
            pcnt = pcnt + valid.astype(jnp.float32)
    loss = jnp.sum(ploss)
    cnt = jnp.sum(pcnt)
    out_ref[...] = jnp.where(cnt > 0.0, loss / jnp.maximum(cnt, 1.0),
                             0.0)[None, None]


def kernel(embeddings, compound_labels, dose_labels):
    comp = compound_labels.astype(jnp.int32).reshape(128, 128)
    dose = dose_labels.astype(jnp.int32).reshape(128, 128)

    dist, keys = pl.pallas_call(
        _dist_kernel,
        out_shape=(
            jax.ShapeDtypeStruct((128, 128), jnp.float32),
            jax.ShapeDtypeStruct((128, 128), jnp.int32),
        ),
    )(embeddings.T, comp, dose)

    seg = functools.partial(
        pl.kernel,
        mesh=plsc.VectorSubcoreMesh(core_axis_name="c", subcore_axis_name="s"),
        compiler_params=pltpu.CompilerParams(use_tc_tiling_on_sc=False),
        out_type=(
            jax.ShapeDtypeStruct((NC * TBL,), jnp.float32),
            jax.ShapeDtypeStruct((NC * TBL,), jnp.float32),
        ),
        scratch_types=[
            pltpu.VMEM((ROWS, 128), jnp.float32),
            pltpu.VMEM((ROWS, 128), jnp.int32),
            pltpu.VMEM((128,), jnp.float32),
            pltpu.VMEM((SLICE,), jnp.float32),
            pltpu.VMEM((SLICE,), jnp.float32),
            pltpu.VMEM_SHARED((TBL,), jnp.float32),
            pltpu.VMEM_SHARED((TBL,), jnp.float32),
        ],
    )(_segment_kernel)
    sums2, counts2 = seg(dist.reshape(NW, ROWS, 128),
                         keys.reshape(NW, ROWS, 128))

    out = pl.pallas_call(
        _loss_kernel,
        out_shape=jax.ShapeDtypeStruct((1, 1), jnp.float32),
    )(sums2.reshape(128, 128), counts2.reshape(128, 128))
    return out.reshape(())

# --- scband reference (transcript-rebuilt; emitter-appended) ---
"""Pipeline reference for scband-ordinal-dose-loss-43851616092489 (READ-ONLY COPY).

The authoritative reference and input builder live on the scoring server;
editing this copy changes nothing except your own understanding.
"""

import jax, jax.numpy as jnp
import numpy as np

B = 16384
DIM = 64
C = 1000
D = 8
MARGIN = 0.1


def setup_inputs(seed: int = 0) -> dict:
    key = jax.random.key(seed)
    k1, k2, k3 = jax.random.split(key, 3)
    embeddings = jax.random.normal(k1, (B, DIM), dtype=jnp.float32)
    compound_labels = jax.random.randint(k2, (B,), 0, C, dtype=jnp.int64 if jax.config.jax_enable_x64 else jnp.int32)
    dose_labels = jax.random.randint(k3, (B,), 0, D, dtype=jnp.int64 if jax.config.jax_enable_x64 else jnp.int32)
    return {"embeddings": embeddings, "compound_labels": compound_labels, "dose_labels": dose_labels}


def reference(embeddings, compound_labels, dose_labels):
    # origin = F.normalize(embeddings.mean(0, keepdim=True), dim=-1)
    origin = embeddings.mean(axis=0, keepdims=True)
    norm = jnp.linalg.norm(origin, ord=2, axis=-1, keepdims=True)
    origin = origin / jnp.maximum(norm, 1e-12)
    # cosine-style distance to DMSO centroid
    dist = 1.0 - (embeddings * origin).sum(axis=-1)  # [B]

    # group means per (compound, dose) cell via scatter-add / segment_sum
    seg_key = compound_labels * D + dose_labels
    sums = jax.ops.segment_sum(dist, seg_key, num_segments=C * D)
    counts = jax.ops.segment_sum(jnp.ones_like(dist), seg_key, num_segments=C * D)
    present_flat = counts > 0
    means_flat = jnp.where(present_flat, sums / jnp.maximum(counts, 1.0), 0.0)
    means = means_flat.reshape(C, D)
    present = present_flat.reshape(C, D)

    # For each compound, consecutive present-dose pairs (sorted unique doses).
    # (d_low, d_high) is a consecutive pair iff both present and no dose in between present.
    loss = jnp.float32(0.0)
    count = jnp.float32(0.0)
    for d_low in range(D - 1):
        for d_high in range(d_low + 1, D):
            gap_ok = jnp.ones((C,), dtype=bool)
            for m in range(d_low + 1, d_high):
                gap_ok = gap_ok & (~present[:, m])
            valid = present[:, d_low] & present[:, d_high] & gap_ok
            violation = MARGIN - (means[:, d_high] - means[:, d_low])
            loss = loss + jnp.where(valid, jax.nn.relu(violation), 0.0).sum()
            count = count + valid.astype(jnp.float32).sum()
    return jnp.where(count > 0, loss / jnp.maximum(count, 1.0), jnp.float32(0.0))

if __name__ == "__main__":
    import jax
    _d = setup_inputs()
    print(jax.jit(kernel)(*tuple(_d.values())))

</pallas_src>

<mosaic_0001>
#map = affine_map<(d0, d1) -> (0, 0, 0)>
#map1 = affine_map<(d0, d1) -> (0)>
module attributes {stable_mosaic.version = 14 : i64} {
  func.func @_segment_kernel(%arg0: i32, %arg1: i32, %arg2: memref<32x4x128xf32, #tpu.memory_space<hbm>>, %arg3: memref<32x4x128xi32, #tpu.memory_space<hbm>>, %arg4: memref<16384xf32, #tpu.memory_space<hbm>>, %arg5: memref<16384xf32, #tpu.memory_space<hbm>>, %arg6: memref<4x128xf32, #tpu.memory_space<vmem>>, %arg7: memref<4x128xi32, #tpu.memory_space<vmem>>, %arg8: memref<128xf32, #tpu.memory_space<vmem>>, %arg9: memref<512xf32, #tpu.memory_space<vmem>>, %arg10: memref<512xf32, #tpu.memory_space<vmem>>, %arg11: memref<8192xf32, #tpu.memory_space<vmem_shared>>, %arg12: memref<8192xf32, #tpu.memory_space<vmem_shared>>) attributes {dimension_semantics = [#tpu.dimension_semantics<core_parallel>, #tpu.dimension_semantics<subcore_parallel>], iteration_bounds = array<i64: 2, 16>, scalar_prefetch = 0 : i64, scratch_operands = 7 : i64, tpu.core_type = #tpu.core_type<sc_vector_subcore>, window_params = [{transform_indices = #map}, {transform_indices = #map}, {transform_indices = #map1}, {transform_indices = #map1}]} {
    %mul3A = arith.constant 16 : i32
    %mul3A_0 = arith.muli %arg0, %mul3A : i32
    %add3A = arith.addi %mul3A_0, %arg1 : i32
    %scan3A = arith.constant 0 : i32
    %scan3A_1 = arith.constant 0 : i32
    %scan3A_2 = arith.constant 32 : i32
    %scan3A_3 = arith.addi %scan3A_1, %scan3A_2 : i32
    %scan3A_4 = arith.constant 1 : i32
    %scan3A_5 = scf.for %scan3A_78 = %scan3A_1 to %scan3A_3 step %scan3A_4 iter_args(%scan3A_79 = %scan3A) -> (i32)  : i32 {
      %broadcast_in_dim3A_80 = arith.constant 0.000000e+00 : f32
      %broadcast_in_dim3A_81 = vector.broadcast %broadcast_in_dim3A_80 : f32 to vector<16xf32>
      %mul3A_82 = arith.constant 16 : i32
      %mul3A_83 = arith.muli %scan3A_78, %mul3A_82 : i32
      %swap3A_84 = arith.index_cast %mul3A_83 : i32 to index
      %swap3A_85 = tpu.vector_load %arg9[%swap3A_84] {strides = array<i32>} : memref<512xf32, #tpu.memory_space<vmem>>, vector<16xf32>,
      %swap3A_86 = vector.shape_cast %swap3A_85 : vector<16xf32> to vector<16xf32>
      %swap3A_87 = vector.shape_cast %broadcast_in_dim3A_81 : vector<16xf32> to vector<16xf32>
      tpu.vector_store %arg9[%swap3A_84], %swap3A_87 {strides = array<i32>} : memref<512xf32, #tpu.memory_space<vmem>>, vector<16xf32>,
      %scan3A_88 = arith.constant 0 : i32
      scf.yield %scan3A_88 : i32
    }
    %scan3A_6 = arith.constant 32 : i32
    %broadcast_in_dim3A = arith.constant 1.000000e+00 : f32
    %broadcast_in_dim3A_7 = vector.broadcast %broadcast_in_dim3A : f32 to vector<16xf32>
    %swap3A = arith.constant 0 : index
    %swap3A_8 = tpu.vector_load %arg8[%swap3A] {strides = array<i32>} : memref<128xf32, #tpu.memory_space<vmem>>, vector<16xf32>,
    %swap3A_9 = vector.shape_cast %swap3A_8 : vector<16xf32> to vector<16xf32>
    %swap3A_10 = vector.shape_cast %broadcast_in_dim3A_7 : vector<16xf32> to vector<16xf32>
    tpu.vector_store %arg8[%swap3A], %swap3A_10 {strides = array<i32>} : memref<128xf32, #tpu.memory_space<vmem>>, vector<16xf32>,
    %broadcast_in_dim3A_11 = arith.constant 1.000000e+00 : f32
    %broadcast_in_dim3A_12 = vector.broadcast %broadcast_in_dim3A_11 : f32 to vector<16xf32>
    %swap3A_13 = arith.constant 16 : index
    %swap3A_14 = tpu.vector_load %arg8[%swap3A_13] {strides = array<i32>} : memref<128xf32, #tpu.memory_space<vmem>>, vector<16xf32>,
    %swap3A_15 = vector.shape_cast %swap3A_14 : vector<16xf32> to vector<16xf32>
    %swap3A_16 = vector.shape_cast %broadcast_in_dim3A_12 : vector<16xf32> to vector<16xf32>
    tpu.vector_store %arg8[%swap3A_13], %swap3A_16 {strides = array<i32>} : memref<128xf32, #tpu.memory_space<vmem>>, vector<16xf32>,
    %broadcast_in_dim3A_17 = arith.constant 1.000000e+00 : f32
    %broadcast_in_dim3A_18 = vector.broadcast %broadcast_in_dim3A_17 : f32 to vector<16xf32>
    %swap3A_19 = arith.constant 32 : index
    %swap3A_20 = tpu.vector_load %arg8[%swap3A_19] {strides = array<i32>} : memref<128xf32, #tpu.memory_space<vmem>>, vector<16xf32>,
    %swap3A_21 = vector.shape_cast %swap3A_20 : vector<16xf32> to vector<16xf32>
    %swap3A_22 = vector.shape_cast %broadcast_in_dim3A_18 : vector<16xf32> to vector<16xf32>
    tpu.vector_store %arg8[%swap3A_19], %swap3A_22 {strides = array<i32>} : memref<128xf32, #tpu.memory_space<vmem>>, vector<16xf32>,
    %broadcast_in_dim3A_23 = arith.constant 1.000000e+00 : f32
    %broadcast_in_dim3A_24 = vector.broadcast %broadcast_in_dim3A_23 : f32 to vector<16xf32>
    %swap3A_25 = arith.constant 48 : index
    %swap3A_26 = tpu.vector_load %arg8[%swap3A_25] {strides = array<i32>} : memref<128xf32, #tpu.memory_space<vmem>>, vector<16xf32>,
    %swap3A_27 = vector.shape_cast %swap3A_26 : vector<16xf32> to vector<16xf32>
    %swap3A_28 = vector.shape_cast %broadcast_in_dim3A_24 : vector<16xf32> to vector<16xf32>
    tpu.vector_store %arg8[%swap3A_25], %swap3A_28 {strides = array<i32>} : memref<128xf32, #tpu.memory_space<vmem>>, vector<16xf32>,
    %broadcast_in_dim3A_29 = arith.constant 1.000000e+00 : f32
    %broadcast_in_dim3A_30 = vector.broadcast %broadcast_in_dim3A_29 : f32 to vector<16xf32>
    %swap3A_31 = arith.constant 64 : index
    %swap3A_32 = tpu.vector_load %arg8[%swap3A_31] {strides = array<i32>} : memref<128xf32, #tpu.memory_space<vmem>>, vector<16xf32>,
    %swap3A_33 = vector.shape_cast %swap3A_32 : vector<16xf32> to vector<16xf32>
    %swap3A_34 = vector.shape_cast %broadcast_in_dim3A_30 : vector<16xf32> to vector<16xf32>
    tpu.vector_store %arg8[%swap3A_31], %swap3A_34 {strides = array<i32>} : memref<128xf32, #tpu.memory_space<vmem>>, vector<16xf32>,
    %broadcast_in_dim3A_35 = arith.constant 1.000000e+00 : f32
    %broadcast_in_dim3A_36 = vector.broadcast %broadcast_in_dim3A_35 : f32 to vector<16xf32>
    %swap3A_37 = arith.constant 80 : index
    %swap3A_38 = tpu.vector_load %arg8[%swap3A_37] {strides = array<i32>} : memref<128xf32, #tpu.memory_space<vmem>>, vector<16xf32>,
    %swap3A_39 = vector.shape_cast %swap3A_38 : vector<16xf32> to vector<16xf32>
    %swap3A_40 = vector.shape_cast %broadcast_in_dim3A_36 : vector<16xf32> to vector<16xf32>
    tpu.vector_store %arg8[%swap3A_37], %swap3A_40 {strides = array<i32>} : memref<128xf32, #tpu.memory_space<vmem>>, vector<16xf32>,
    %broadcast_in_dim3A_41 = arith.constant 1.000000e+00 : f32
    %broadcast_in_dim3A_42 = vector.broadcast %broadcast_in_dim3A_41 : f32 to vector<16xf32>
    %swap3A_43 = arith.constant 96 : index
    %swap3A_44 = tpu.vector_load %arg8[%swap3A_43] {strides = array<i32>} : memref<128xf32, #tpu.memory_space<vmem>>, vector<16xf32>,
    %swap3A_45 = vector.shape_cast %swap3A_44 : vector<16xf32> to vector<16xf32>
    %swap3A_46 = vector.shape_cast %broadcast_in_dim3A_42 : vector<16xf32> to vector<16xf32>
    tpu.vector_store %arg8[%swap3A_43], %swap3A_46 {strides = array<i32>} : memref<128xf32, #tpu.memory_space<vmem>>, vector<16xf32>,
    %broadcast_in_dim3A_47 = arith.constant 1.000000e+00 : f32
    %broadcast_in_dim3A_48 = vector.broadcast %broadcast_in_dim3A_47 : f32 to vector<16xf32>
    %swap3A_49 = arith.constant 112 : index
    %swap3A_50 = tpu.vector_load %arg8[%swap3A_49] {strides = array<i32>} : memref<128xf32, #tpu.memory_space<vmem>>, vector<16xf32>,
    %swap3A_51 = vector.shape_cast %swap3A_50 : vector<16xf32> to vector<16xf32>
    %swap3A_52 = vector.shape_cast %broadcast_in_dim3A_48 : vector<16xf32> to vector<16xf32>
    tpu.vector_store %arg8[%swap3A_49], %swap3A_52 {strides = array<i32>} : memref<128xf32, #tpu.memory_space<vmem>>, vector<16xf32>,
    %mul3A_53 = arith.constant 512 : i32
    %mul3A_54 = arith.muli %arg1, %mul3A_53 : i32
    "tpu.region"() ({
      %run_scoped3A_78 = tpu.sem_alloc : memref<!tpu.dma_semaphore, #tpu.memory_space<semaphore_mem>>
      %dma_start3A = tpu.memref_slice %arg11[%mul3A_54] : memref<8192xf32, #tpu.memory_space<vmem_shared>> -> memref<512xf32, #tpu.memory_space<vmem_shared>>
      %dma_start3A_79 = tpu.memref_slice %arg11[%mul3A_54] : memref<8192xf32, #tpu.memory_space<vmem_shared>> -> memref<512xf32, #tpu.memory_space<vmem_shared>>
      tpu.enqueue_dma source(%arg9 : memref<512xf32, #tpu.memory_space<vmem>>) target(%dma_start3A_79 : memref<512xf32, #tpu.memory_space<vmem_shared>>) target_semaphore(%run_scoped3A_78 : memref<!tpu.dma_semaphore, #tpu.memory_space<semaphore_mem>>)
      %dma_wait3A = tpu.memref_slice %arg11[%mul3A_54] : memref<8192xf32, #tpu.memory_space<vmem_shared>> -> memref<512xf32, #tpu.memory_space<vmem_shared>>
      %dma_wait3A_80 = tpu.memref_slice %arg11[%mul3A_54] : memref<8192xf32, #tpu.memory_space<vmem_shared>> -> memref<512xf32, #tpu.memory_space<vmem_shared>>
      tpu.wait_dma2 semaphore(%run_scoped3A_78 : memref<!tpu.dma_semaphore, #tpu.memory_space<semaphore_mem>>) src(%arg9 : memref<512xf32, #tpu.memory_space<vmem>>) dst(%dma_wait3A_80 : memref<512xf32, #tpu.memory_space<vmem_shared>>)
      tpu.yield
    }) : () -> ()
    %mul3A_55 = arith.constant 512 : i32
    %mul3A_56 = arith.muli %arg1, %mul3A_55 : i32
    "tpu.region"() ({
      %run_scoped3A_78 = tpu.sem_alloc : memref<!tpu.dma_semaphore, #tpu.memory_space<semaphore_mem>>
      %dma_start3A = tpu.memref_slice %arg12[%mul3A_56] : memref<8192xf32, #tpu.memory_space<vmem_shared>> -> memref<512xf32, #tpu.memory_space<vmem_shared>>
      %dma_start3A_79 = tpu.memref_slice %arg12[%mul3A_56] : memref<8192xf32, #tpu.memory_space<vmem_shared>> -> memref<512xf32, #tpu.memory_space<vmem_shared>>
      tpu.enqueue_dma source(%arg9 : memref<512xf32, #tpu.memory_space<vmem>>) target(%dma_start3A_79 : memref<512xf32, #tpu.memory_space<vmem_shared>>) target_semaphore(%run_scoped3A_78 : memref<!tpu.dma_semaphore, #tpu.memory_space<semaphore_mem>>)
      %dma_wait3A = tpu.memref_slice %arg12[%mul3A_56] : memref<8192xf32, #tpu.memory_space<vmem_shared>> -> memref<512xf32, #tpu.memory_space<vmem_shared>>
      %dma_wait3A_80 = tpu.memref_slice %arg12[%mul3A_56] : memref<8192xf32, #tpu.memory_space<vmem_shared>> -> memref<512xf32, #tpu.memory_space<vmem_shared>>
      tpu.wait_dma2 semaphore(%run_scoped3A_78 : memref<!tpu.dma_semaphore, #tpu.memory_space<semaphore_mem>>) src(%arg9 : memref<512xf32, #tpu.memory_space<vmem>>) dst(%dma_wait3A_80 : memref<512xf32, #tpu.memory_space<vmem_shared>>)
      tpu.yield
    }) : () -> ()
    "tpu.region"() ({
      %run_scoped3A_78 = tpu.sem_alloc : memref<!tpu.dma_semaphore, #tpu.memory_space<semaphore_mem>>
      %dma_start3A = arith.constant 0 : i32
      %dma_start3A_79 = arith.constant 0 : i32
      %dma_start3A_80 = tpu.memref_slice %arg2[%add3A, %dma_start3A, %dma_start3A_79] : memref<32x4x128xf32, #tpu.memory_space<hbm>> -> memref<1x4x128xf32, #tpu.memory_space<hbm>>
      %dma_start3A_81 = tpu.memref_squeeze %dma_start3A_80 : memref<1x4x128xf32, #tpu.memory_space<hbm>> -> memref<4x128xf32, #tpu.memory_space<hbm>>
      %dma_start3A_82 = arith.constant 0 : i32
      %dma_start3A_83 = arith.constant 0 : i32
      %dma_start3A_84 = tpu.memref_slice %arg2[%add3A, %dma_start3A_82, %dma_start3A_83] : memref<32x4x128xf32, #tpu.memory_space<hbm>> -> memref<1x4x128xf32, #tpu.memory_space<hbm>>
      %dma_start3A_85 = tpu.memref_squeeze %dma_start3A_84 : memref<1x4x128xf32, #tpu.memory_space<hbm>> -> memref<4x128xf32, #tpu.memory_space<hbm>>
      tpu.enqueue_dma source(%dma_start3A_85 : memref<4x128xf32, #tpu.memory_space<hbm>>) target(%arg6 : memref<4x128xf32, #tpu.memory_space<vmem>>) target_semaphore(%run_scoped3A_78 : memref<!tpu.dma_semaphore, #tpu.memory_space<semaphore_mem>>)
      %dma_wait3A = arith.constant 0 : i32
      %dma_wait3A_86 = arith.constant 0 : i32
      %dma_wait3A_87 = tpu.memref_slice %arg2[%add3A, %dma_wait3A, %dma_wait3A_86] : memref<32x4x128xf32, #tpu.memory_space<hbm>> -> memref<1x4x128xf32, #tpu.memory_space<hbm>>
      %dma_wait3A_88 = tpu.memref_squeeze %dma_wait3A_87 : memref<1x4x128xf32, #tpu.memory_space<hbm>> -> memref<4x128xf32, #tpu.memory_space<hbm>>
      %dma_wait3A_89 = arith.constant 0 : i32
      %dma_wait3A_90 = arith.constant 0 : i32
      %dma_wait3A_91 = tpu.memref_slice %arg2[%add3A, %dma_wait3A_89, %dma_wait3A_90] : memref<32x4x128xf32, #tpu.memory_space<hbm>> -> memref<1x4x128xf32, #tpu.memory_space<hbm>>
      %dma_wait3A_92 = tpu.memref_squeeze %dma_wait3A_91 : memref<1x4x128xf32, #tpu.memory_space<hbm>> -> memref<4x128xf32, #tpu.memory_space<hbm>>
      tpu.wait_dma2 semaphore(%run_scoped3A_78 : memref<!tpu.dma_semaphore, #tpu.memory_space<semaphore_mem>>) src(%dma_wait3A_92 : memref<4x128xf32, #tpu.memory_space<hbm>>) dst(%arg6 : memref<4x128xf32, #tpu.memory_space<vmem>>)
      tpu.yield
    }) : () -> ()
    "tpu.region"() ({
      %run_scoped3A_78 = tpu.sem_alloc : memref<!tpu.dma_semaphore, #tpu.memory_space<semaphore_mem>>
      %dma_start3A = arith.constant 0 : i32
      %dma_start3A_79 = arith.constant 0 : i32
      %dma_start3A_80 = tpu.memref_slice %arg3[%add3A, %dma_start3A, %dma_start3A_79] : memref<32x4x128xi32, #tpu.memory_space<hbm>> -> memref<1x4x128xi32, #tpu.memory_space<hbm>>
      %dma_start3A_81 = tpu.memref_squeeze %dma_start3A_80 : memref<1x4x128xi32, #tpu.memory_space<hbm>> -> memref<4x128xi32, #tpu.memory_space<hbm>>
      %dma_start3A_82 = arith.constant 0 : i32
      %dma_start3A_83 = arith.constant 0 : i32
      %dma_start3A_84 = tpu.memref_slice %arg3[%add3A, %dma_start3A_82, %dma_start3A_83] : memref<32x4x128xi32, #tpu.memory_space<hbm>> -> memref<1x4x128xi32, #tpu.memory_space<hbm>>
      %dma_start3A_85 = tpu.memref_squeeze %dma_start3A_84 : memref<1x4x128xi32, #tpu.memory_space<hbm>> -> memref<4x128xi32, #tpu.memory_space<hbm>>
      tpu.enqueue_dma source(%dma_start3A_85 : memref<4x128xi32, #tpu.memory_space<hbm>>) target(%arg7 : memref<4x128xi32, #tpu.memory_space<vmem>>) target_semaphore(%run_scoped3A_78 : memref<!tpu.dma_semaphore, #tpu.memory_space<semaphore_mem>>)
      %dma_wait3A = arith.constant 0 : i32
      %dma_wait3A_86 = arith.constant 0 : i32
      %dma_wait3A_87 = tpu.memref_slice %arg3[%add3A, %dma_wait3A, %dma_wait3A_86] : memref<32x4x128xi32, #tpu.memory_space<hbm>> -> memref<1x4x128xi32, #tpu.memory_space<hbm>>
      %dma_wait3A_88 = tpu.memref_squeeze %dma_wait3A_87 : memref<1x4x128xi32, #tpu.memory_space<hbm>> -> memref<4x128xi32, #tpu.memory_space<hbm>>
      %dma_wait3A_89 = arith.constant 0 : i32
      %dma_wait3A_90 = arith.constant 0 : i32
      %dma_wait3A_91 = tpu.memref_slice %arg3[%add3A, %dma_wait3A_89, %dma_wait3A_90] : memref<32x4x128xi32, #tpu.memory_space<hbm>> -> memref<1x4x128xi32, #tpu.memory_space<hbm>>
      %dma_wait3A_92 = tpu.memref_squeeze %dma_wait3A_91 : memref<1x4x128xi32, #tpu.memory_space<hbm>> -> memref<4x128xi32, #tpu.memory_space<hbm>>
      tpu.wait_dma2 semaphore(%run_scoped3A_78 : memref<!tpu.dma_semaphore, #tpu.memory_space<semaphore_mem>>) src(%dma_wait3A_92 : memref<4x128xi32, #tpu.memory_space<hbm>>) dst(%arg7 : memref<4x128xi32, #tpu.memory_space<vmem>>)
      tpu.yield
    }) : () -> ()
    %barrier3A = arith.constant 0 : index
    tpu.barrier barrier_id(%barrier3A)
    %run_scoped3A = arith.constant 0 : i32
    %run_scoped3A_57 = arith.constant 0 : i32
    "tpu.region"() ({
      %run_scoped3A_78 = tpu.sem_alloc : memref<!tpu.dma_semaphore, #tpu.memory_space<semaphore_mem>>
      %dma_start3A = arith.constant 0 : i32
      %dma_start3A_79 = tpu.memref_slice %arg6[%run_scoped3A, %dma_start3A] : memref<4x128xf32, #tpu.memory_space<vmem>> -> memref<1x128xf32, #tpu.memory_space<vmem>>
      %dma_start3A_80 = tpu.memref_squeeze %dma_start3A_79 : memref<1x128xf32, #tpu.memory_space<vmem>> -> memref<128xf32, #tpu.memory_space<vmem>>
      %dma_start3A_81 = arith.constant 0 : i32
      %dma_start3A_82 = tpu.memref_slice %arg7[%run_scoped3A_57, %dma_start3A_81] : memref<4x128xi32, #tpu.memory_space<vmem>> -> memref<1x128xi32, #tpu.memory_space<vmem>>
      %dma_start3A_83 = tpu.memref_squeeze %dma_start3A_82 : memref<1x128xi32, #tpu.memory_space<vmem>> -> memref<128xi32, #tpu.memory_space<vmem>>
      %dma_start3A_84 = arith.constant 0 : i32
      %dma_start3A_85 = tpu.memref_slice %arg11[%dma_start3A_84] : memref<8192xf32, #tpu.memory_space<vmem_shared>> -> memref<8192xf32, #tpu.memory_space<vmem_shared>>
      tpu.enqueue_indirect_dma source(%dma_start3A_80 : memref<128xf32, #tpu.memory_space<vmem>>) target(%dma_start3A_85 : memref<8192xf32, #tpu.memory_space<vmem_shared>>) offsets(%dma_start3A_83 : memref<128xi32, #tpu.memory_space<vmem>>) semaphore(%run_scoped3A_78 : memref<!tpu.dma_semaphore, #tpu.memory_space<semaphore_mem>>) {add = true}
      %dma_wait3A = arith.constant 0 : i32
      %dma_wait3A_86 = tpu.memref_slice %arg6[%run_scoped3A, %dma_wait3A] : memref<4x128xf32, #tpu.memory_space<vmem>> -> memref<1x128xf32, #tpu.memory_space<vmem>>
      %dma_wait3A_87 = tpu.memref_squeeze %dma_wait3A_86 : memref<1x128xf32, #tpu.memory_space<vmem>> -> memref<128xf32, #tpu.memory_space<vmem>>
      %dma_wait3A_88 = arith.constant 0 : i32
      %dma_wait3A_89 = tpu.memref_slice %arg7[%run_scoped3A_57, %dma_wait3A_88] : memref<4x128xi32, #tpu.memory_space<vmem>> -> memref<1x128xi32, #tpu.memory_space<vmem>>
      %dma_wait3A_90 = tpu.memref_squeeze %dma_wait3A_89 : memref<1x128xi32, #tpu.memory_space<vmem>> -> memref<128xi32, #tpu.memory_space<vmem>>
      %dma_wait3A_91 = arith.constant 0 : i32
      %dma_wait3A_92 = tpu.memref_slice %arg11[%dma_wait3A_91] : memref<8192xf32, #tpu.memory_space<vmem_shared>> -> memref<8192xf32, #tpu.memory_space<vmem_shared>>
      tpu.wait_indirect_dma semaphore(%run_scoped3A_78 : memref<!tpu.dma_semaphore, #tpu.memory_space<semaphore_mem>>) src(%dma_wait3A_87 : memref<128xf32, #tpu.memory_space<vmem>>) dst(%dma_wait3A_92 : memref<8192xf32, #tpu.memory_space<vmem_shared>>)
      tpu.yield
    }) : () -> ()
    %run_scoped3A_58 = arith.constant 0 : i32
    "tpu.region"() ({
      %run_scoped3A_78 = tpu.sem_alloc : memref<!tpu.dma_semaphore, #tpu.memory_space<semaphore_mem>>
      %dma_start3A = arith.constant 0 : i32
      %dma_start3A_79 = tpu.memref_slice %arg7[%run_scoped3A_58, %dma_start3A] : memref<4x128xi32, #tpu.memory_space<vmem>> -> memref<1x128xi32, #tpu.memory_space<vmem>>
      %dma_start3A_80 = tpu.memref_squeeze %dma_start3A_79 : memref<1x128xi32, #tpu.memory_space<vmem>> -> memref<128xi32, #tpu.memory_space<vmem>>
      %dma_start3A_81 = arith.constant 0 : i32
      %dma_start3A_82 = tpu.memref_slice %arg12[%dma_start3A_81] : memref<8192xf32, #tpu.memory_space<vmem_shared>> -> memref<8192xf32, #tpu.memory_space<vmem_shared>>
      tpu.enqueue_indirect_dma source(%arg8 : memref<128xf32, #tpu.memory_space<vmem>>) target(%dma_start3A_82 : memref<8192xf32, #tpu.memory_space<vmem_shared>>) offsets(%dma_start3A_80 : memref<128xi32, #tpu.memory_space<vmem>>) semaphore(%run_scoped3A_78 : memref<!tpu.dma_semaphore, #tpu.memory_space<semaphore_mem>>) {add = true}
      %dma_wait3A = arith.constant 0 : i32
      %dma_wait3A_83 = tpu.memref_slice %arg7[%run_scoped3A_58, %dma_wait3A] : memref<4x128xi32, #tpu.memory_space<vmem>> -> memref<1x128xi32, #tpu.memory_space<vmem>>
      %dma_wait3A_84 = tpu.memref_squeeze %dma_wait3A_83 : memref<1x128xi32, #tpu.memory_space<vmem>> -> memref<128xi32, #tpu.memory_space<vmem>>
      %dma_wait3A_85 = arith.constant 0 : i32
      %dma_wait3A_86 = tpu.memref_slice %arg12[%dma_wait3A_85] : memref<8192xf32, #tpu.memory_space<vmem_shared>> -> memref<8192xf32, #tpu.memory_space<vmem_shared>>
      tpu.wait_indirect_dma semaphore(%run_scoped3A_78 : memref<!tpu.dma_semaphore, #tpu.memory_space<semaphore_mem>>) src(%arg8 : memref<128xf32, #tpu.memory_space<vmem>>) dst(%dma_wait3A_86 : memref<8192xf32, #tpu.memory_space<vmem_shared>>)
      tpu.yield
    }) : () -> ()
    %run_scoped3A_59 = arith.constant 1 : i32
    %run_scoped3A_60 = arith.constant 1 : i32
    "tpu.region"() ({
      %run_scoped3A_78 = tpu.sem_alloc : memref<!tpu.dma_semaphore, #tpu.memory_space<semaphore_mem>>
      %dma_start3A = arith.constant 0 : i32
      %dma_start3A_79 = tpu.memref_slice %arg6[%run_scoped3A_59, %dma_start3A] : memref<4x128xf32, #tpu.memory_space<vmem>> -> memref<1x128xf32, #tpu.memory_space<vmem>>
      %dma_start3A_80 = tpu.memref_squeeze %dma_start3A_79 : memref<1x128xf32, #tpu.memory_space<vmem>> -> memref<128xf32, #tpu.memory_space<vmem>>
      %dma_start3A_81 = arith.constant 0 : i32
      %dma_start3A_82 = tpu.memref_slice %arg7[%run_scoped3A_60, %dma_start3A_81] : memref<4x128xi32, #tpu.memory_space<vmem>> -> memref<1x128xi32, #tpu.memory_space<vmem>>
      %dma_start3A_83 = tpu.memref_squeeze %dma_start3A_82 : memref<1x128xi32, #tpu.memory_space<vmem>> -> memref<128xi32, #tpu.memory_space<vmem>>
      %dma_start3A_84 = arith.constant 0 : i32
      %dma_start3A_85 = tpu.memref_slice %arg11[%dma_start3A_84] : memref<8192xf32, #tpu.memory_space<vmem_shared>> -> memref<8192xf32, #tpu.memory_space<vmem_shared>>
      tpu.enqueue_indirect_dma source(%dma_start3A_80 : memref<128xf32, #tpu.memory_space<vmem>>) target(%dma_start3A_85 : memref<8192xf32, #tpu.memory_space<vmem_shared>>) offsets(%dma_start3A_83 : memref<128xi32, #tpu.memory_space<vmem>>) semaphore(%run_scoped3A_78 : memref<!tpu.dma_semaphore, #tpu.memory_space<semaphore_mem>>) {add = true}
      %dma_wait3A = arith.constant 0 : i32
      %dma_wait3A_86 = tpu.memref_slice %arg6[%run_scoped3A_59, %dma_wait3A] : memref<4x128xf32, #tpu.memory_space<vmem>> -> memref<1x128xf32, #tpu.memory_space<vmem>>
      %dma_wait3A_87 = tpu.memref_squeeze %dma_wait3A_86 : memref<1x128xf32, #tpu.memory_space<vmem>> -> memref<128xf32, #tpu.memory_space<vmem>>
      %dma_wait3A_88 = arith.constant 0 : i32
      %dma_wait3A_89 = tpu.memref_slice %arg7[%run_scoped3A_60, %dma_wait3A_88] : memref<4x128xi32, #tpu.memory_space<vmem>> -> memref<1x128xi32, #tpu.memory_space<vmem>>
      %dma_wait3A_90 = tpu.memref_squeeze %dma_wait3A_89 : memref<1x128xi32, #tpu.memory_space<vmem>> -> memref<128xi32, #tpu.memory_space<vmem>>
      %dma_wait3A_91 = arith.constant 0 : i32
      %dma_wait3A_92 = tpu.memref_slice %arg11[%dma_wait3A_91] : memref<8192xf32, #tpu.memory_space<vmem_shared>> -> memref<8192xf32, #tpu.memory_space<vmem_shared>>
      tpu.wait_indirect_dma semaphore(%run_scoped3A_78 : memref<!tpu.dma_semaphore, #tpu.memory_space<semaphore_mem>>) src(%dma_wait3A_87 : memref<128xf32, #tpu.memory_space<vmem>>) dst(%dma_wait3A_92 : memref<8192xf32, #tpu.memory_space<vmem_shared>>)
      tpu.yield
    }) : () -> ()
    %run_scoped3A_61 = arith.constant 1 : i32
    "tpu.region"() ({
      %run_scoped3A_78 = tpu.sem_alloc : memref<!tpu.dma_semaphore, #tpu.memory_space<semaphore_mem>>
      %dma_start3A = arith.constant 0 : i32
      %dma_start3A_79 = tpu.memref_slice %arg7[%run_scoped3A_61, %dma_start3A] : memref<4x128xi32, #tpu.memory_space<vmem>> -> memref<1x128xi32, #tpu.memory_space<vmem>>
      %dma_start3A_80 = tpu.memref_squeeze %dma_start3A_79 : memref<1x128xi32, #tpu.memory_space<vmem>> -> memref<128xi32, #tpu.memory_space<vmem>>
      %dma_start3A_81 = arith.constant 0 : i32
      %dma_start3A_82 = tpu.memref_slice %arg12[%dma_start3A_81] : memref<8192xf32, #tpu.memory_space<vmem_shared>> -> memref<8192xf32, #tpu.memory_space<vmem_shared>>
      tpu.enqueue_indirect_dma source(%arg8 : memref<128xf32, #tpu.memory_space<vmem>>) target(%dma_start3A_82 : memref<8192xf32, #tpu.memory_space<vmem_shared>>) offsets(%dma_start3A_80 : memref<128xi32, #tpu.memory_space<vmem>>) semaphore(%run_scoped3A_78 : memref<!tpu.dma_semaphore, #tpu.memory_space<semaphore_mem>>) {add = true}
      %dma_wait3A = arith.constant 0 : i32
      %dma_wait3A_83 = tpu.memref_slice %arg7[%run_scoped3A_61, %dma_wait3A] : memref<4x128xi32, #tpu.memory_space<vmem>> -> memref<1x128xi32, #tpu.memory_space<vmem>>
      %dma_wait3A_84 = tpu.memref_squeeze %dma_wait3A_83 : memref<1x128xi32, #tpu.memory_space<vmem>> -> memref<128xi32, #tpu.memory_space<vmem>>
      %dma_wait3A_85 = arith.constant 0 : i32
      %dma_wait3A_86 = tpu.memref_slice %arg12[%dma_wait3A_85] : memref<8192xf32, #tpu.memory_space<vmem_shared>> -> memref<8192xf32, #tpu.memory_space<vmem_shared>>
      tpu.wait_indirect_dma semaphore(%run_scoped3A_78 : memref<!tpu.dma_semaphore, #tpu.memory_space<semaphore_mem>>) src(%arg8 : memref<128xf32, #tpu.memory_space<vmem>>) dst(%dma_wait3A_86 : memref<8192xf32, #tpu.memory_space<vmem_shared>>)
      tpu.yield
    }) : () -> ()
    %run_scoped3A_62 = arith.constant 2 : i32
    %run_scoped3A_63 = arith.constant 2 : i32
    "tpu.region"() ({
      %run_scoped3A_78 = tpu.sem_alloc : memref<!tpu.dma_semaphore, #tpu.memory_space<semaphore_mem>>
      %dma_start3A = arith.constant 0 : i32
      %dma_start3A_79 = tpu.memref_slice %arg6[%run_scoped3A_62, %dma_start3A] : memref<4x128xf32, #tpu.memory_space<vmem>> -> memref<1x128xf32, #tpu.memory_space<vmem>>
      %dma_start3A_80 = tpu.memref_squeeze %dma_start3A_79 : memref<1x128xf32, #tpu.memory_space<vmem>> -> memref<128xf32, #tpu.memory_space<vmem>>
      %dma_start3A_81 = arith.constant 0 : i32
      %dma_start3A_82 = tpu.memref_slice %arg7[%run_scoped3A_63, %dma_start3A_81] : memref<4x128xi32, #tpu.memory_space<vmem>> -> memref<1x128xi32, #tpu.memory_space<vmem>>
      %dma_start3A_83 = tpu.memref_squeeze %dma_start3A_82 : memref<1x128xi32, #tpu.memory_space<vmem>> -> memref<128xi32, #tpu.memory_space<vmem>>
      %dma_start3A_84 = arith.constant 0 : i32
      %dma_start3A_85 = tpu.memref_slice %arg11[%dma_start3A_84] : memref<8192xf32, #tpu.memory_space<vmem_shared>> -> memref<8192xf32, #tpu.memory_space<vmem_shared>>
      tpu.enqueue_indirect_dma source(%dma_start3A_80 : memref<128xf32, #tpu.memory_space<vmem>>) target(%dma_start3A_85 : memref<8192xf32, #tpu.memory_space<vmem_shared>>) offsets(%dma_start3A_83 : memref<128xi32, #tpu.memory_space<vmem>>) semaphore(%run_scoped3A_78 : memref<!tpu.dma_semaphore, #tpu.memory_space<semaphore_mem>>) {add = true}
      %dma_wait3A = arith.constant 0 : i32
      %dma_wait3A_86 = tpu.memref_slice %arg6[%run_scoped3A_62, %dma_wait3A] : memref<4x128xf32, #tpu.memory_space<vmem>> -> memref<1x128xf32, #tpu.memory_space<vmem>>
      %dma_wait3A_87 = tpu.memref_squeeze %dma_wait3A_86 : memref<1x128xf32, #tpu.memory_space<vmem>> -> memref<128xf32, #tpu.memory_space<vmem>>
      %dma_wait3A_88 = arith.constant 0 : i32
      %dma_wait3A_89 = tpu.memref_slice %arg7[%run_scoped3A_63, %dma_wait3A_88] : memref<4x128xi32, #tpu.memory_space<vmem>> -> memref<1x128xi32, #tpu.memory_space<vmem>>
      %dma_wait3A_90 = tpu.memref_squeeze %dma_wait3A_89 : memref<1x128xi32, #tpu.memory_space<vmem>> -> memref<128xi32, #tpu.memory_space<vmem>>
      %dma_wait3A_91 = arith.constant 0 : i32
      %dma_wait3A_92 = tpu.memref_slice %arg11[%dma_wait3A_91] : memref<8192xf32, #tpu.memory_space<vmem_shared>> -> memref<8192xf32, #tpu.memory_space<vmem_shared>>
      tpu.wait_indirect_dma semaphore(%run_scoped3A_78 : memref<!tpu.dma_semaphore, #tpu.memory_space<semaphore_mem>>) src(%dma_wait3A_87 : memref<128xf32, #tpu.memory_space<vmem>>) dst(%dma_wait3A_92 : memref<8192xf32, #tpu.memory_space<vmem_shared>>)
      tpu.yield
    }) : () -> ()
    %run_scoped3A_64 = arith.constant 2 : i32
    "tpu.region"() ({
      %run_scoped3A_78 = tpu.sem_alloc : memref<!tpu.dma_semaphore, #tpu.memory_space<semaphore_mem>>
      %dma_start3A = arith.constant 0 : i32
      %dma_start3A_79 = tpu.memref_slice %arg7[%run_scoped3A_64, %dma_start3A] : memref<4x128xi32, #tpu.memory_space<vmem>> -> memref<1x128xi32, #tpu.memory_space<vmem>>
      %dma_start3A_80 = tpu.memref_squeeze %dma_start3A_79 : memref<1x128xi32, #tpu.memory_space<vmem>> -> memref<128xi32, #tpu.memory_space<vmem>>
      %dma_start3A_81 = arith.constant 0 : i32
      %dma_start3A_82 = tpu.memref_slice %arg12[%dma_start3A_81] : memref<8192xf32, #tpu.memory_space<vmem_shared>> -> memref<8192xf32, #tpu.memory_space<vmem_shared>>
      tpu.enqueue_indirect_dma source(%arg8 : memref<128xf32, #tpu.memory_space<vmem>>) target(%dma_start3A_82 : memref<8192xf32, #tpu.memory_space<vmem_shared>>) offsets(%dma_start3A_80 : memref<128xi32, #tpu.memory_space<vmem>>) semaphore(%run_scoped3A_78 : memref<!tpu.dma_semaphore, #tpu.memory_space<semaphore_mem>>) {add = true}
      %dma_wait3A = arith.constant 0 : i32
      %dma_wait3A_83 = tpu.memref_slice %arg7[%run_scoped3A_64, %dma_wait3A] : memref<4x128xi32, #tpu.memory_space<vmem>> -> memref<1x128xi32, #tpu.memory_space<vmem>>
      %dma_wait3A_84 = tpu.memref_squeeze %dma_wait3A_83 : memref<1x128xi32, #tpu.memory_space<vmem>> -> memref<128xi32, #tpu.memory_space<vmem>>
      %dma_wait3A_85 = arith.constant 0 : i32
      %dma_wait3A_86 = tpu.memref_slice %arg12[%dma_wait3A_85] : memref<8192xf32, #tpu.memory_space<vmem_shared>> -> memref<8192xf32, #tpu.memory_space<vmem_shared>>
      tpu.wait_indirect_dma semaphore(%run_scoped3A_78 : memref<!tpu.dma_semaphore, #tpu.memory_space<semaphore_mem>>) src(%arg8 : memref<128xf32, #tpu.memory_space<vmem>>) dst(%dma_wait3A_86 : memref<8192xf32, #tpu.memory_space<vmem_shared>>)
      tpu.yield
    }) : () -> ()
    %run_scoped3A_65 = arith.constant 3 : i32
    %run_scoped3A_66 = arith.constant 3 : i32
    "tpu.region"() ({
      %run_scoped3A_78 = tpu.sem_alloc : memref<!tpu.dma_semaphore, #tpu.memory_space<semaphore_mem>>
      %dma_start3A = arith.constant 0 : i32
      %dma_start3A_79 = tpu.memref_slice %arg6[%run_scoped3A_65, %dma_start3A] : memref<4x128xf32, #tpu.memory_space<vmem>> -> memref<1x128xf32, #tpu.memory_space<vmem>>
      %dma_start3A_80 = tpu.memref_squeeze %dma_start3A_79 : memref<1x128xf32, #tpu.memory_space<vmem>> -> memref<128xf32, #tpu.memory_space<vmem>>
      %dma_start3A_81 = arith.constant 0 : i32
      %dma_start3A_82 = tpu.memref_slice %arg7[%run_scoped3A_66, %dma_start3A_81] : memref<4x128xi32, #tpu.memory_space<vmem>> -> memref<1x128xi32, #tpu.memory_space<vmem>>
      %dma_start3A_83 = tpu.memref_squeeze %dma_start3A_82 : memref<1x128xi32, #tpu.memory_space<vmem>> -> memref<128xi32, #tpu.memory_space<vmem>>
      %dma_start3A_84 = arith.constant 0 : i32
      %dma_start3A_85 = tpu.memref_slice %arg11[%dma_start3A_84] : memref<8192xf32, #tpu.memory_space<vmem_shared>> -> memref<8192xf32, #tpu.memory_space<vmem_shared>>
      tpu.enqueue_indirect_dma source(%dma_start3A_80 : memref<128xf32, #tpu.memory_space<vmem>>) target(%dma_start3A_85 : memref<8192xf32, #tpu.memory_space<vmem_shared>>) offsets(%dma_start3A_83 : memref<128xi32, #tpu.memory_space<vmem>>) semaphore(%run_scoped3A_78 : memref<!tpu.dma_semaphore, #tpu.memory_space<semaphore_mem>>) {add = true}
      %dma_wait3A = arith.constant 0 : i32
      %dma_wait3A_86 = tpu.memref_slice %arg6[%run_scoped3A_65, %dma_wait3A] : memref<4x128xf32, #tpu.memory_space<vmem>> -> memref<1x128xf32, #tpu.memory_space<vmem>>
      %dma_wait3A_87 = tpu.memref_squeeze %dma_wait3A_86 : memref<1x128xf32, #tpu.memory_space<vmem>> -> memref<128xf32, #tpu.memory_space<vmem>>
      %dma_wait3A_88 = arith.constant 0 : i32
      %dma_wait3A_89 = tpu.memref_slice %arg7[%run_scoped3A_66, %dma_wait3A_88] : memref<4x128xi32, #tpu.memory_space<vmem>> -> memref<1x128xi32, #tpu.memory_space<vmem>>
      %dma_wait3A_90 = tpu.memref_squeeze %dma_wait3A_89 : memref<1x128xi32, #tpu.memory_space<vmem>> -> memref<128xi32, #tpu.memory_space<vmem>>
      %dma_wait3A_91 = arith.constant 0 : i32
      %dma_wait3A_92 = tpu.memref_slice %arg11[%dma_wait3A_91] : memref<8192xf32, #tpu.memory_space<vmem_shared>> -> memref<8192xf32, #tpu.memory_space<vmem_shared>>
      tpu.wait_indirect_dma semaphore(%run_scoped3A_78 : memref<!tpu.dma_semaphore, #tpu.memory_space<semaphore_mem>>) src(%dma_wait3A_87 : memref<128xf32, #tpu.memory_space<vmem>>) dst(%dma_wait3A_92 : memref<8192xf32, #tpu.memory_space<vmem_shared>>)
      tpu.yield
    }) : () -> ()
    %run_scoped3A_67 = arith.constant 3 : i32
    "tpu.region"() ({
      %run_scoped3A_78 = tpu.sem_alloc : memref<!tpu.dma_semaphore, #tpu.memory_space<semaphore_mem>>
      %dma_start3A = arith.constant 0 : i32
      %dma_start3A_79 = tpu.memref_slice %arg7[%run_scoped3A_67, %dma_start3A] : memref<4x128xi32, #tpu.memory_space<vmem>> -> memref<1x128xi32, #tpu.memory_space<vmem>>
      %dma_start3A_80 = tpu.memref_squeeze %dma_start3A_79 : memref<1x128xi32, #tpu.memory_space<vmem>> -> memref<128xi32, #tpu.memory_space<vmem>>
      %dma_start3A_81 = arith.constant 0 : i32
      %dma_start3A_82 = tpu.memref_slice %arg12[%dma_start3A_81] : memref<8192xf32, #tpu.memory_space<vmem_shared>> -> memref<8192xf32, #tpu.memory_space<vmem_shared>>
      tpu.enqueue_indirect_dma source(%arg8 : memref<128xf32, #tpu.memory_space<vmem>>) target(%dma_start3A_82 : memref<8192xf32, #tpu.memory_space<vmem_shared>>) offsets(%dma_start3A_80 : memref<128xi32, #tpu.memory_space<vmem>>) semaphore(%run_scoped3A_78 : memref<!tpu.dma_semaphore, #tpu.memory_space<semaphore_mem>>) {add = true}
      %dma_wait3A = arith.constant 0 : i32
      %dma_wait3A_83 = tpu.memref_slice %arg7[%run_scoped3A_67, %dma_wait3A] : memref<4x128xi32, #tpu.memory_space<vmem>> -> memref<1x128xi32, #tpu.memory_space<vmem>>
      %dma_wait3A_84 = tpu.memref_squeeze %dma_wait3A_83 : memref<1x128xi32, #tpu.memory_space<vmem>> -> memref<128xi32, #tpu.memory_space<vmem>>
      %dma_wait3A_85 = arith.constant 0 : i32
      %dma_wait3A_86 = tpu.memref_slice %arg12[%dma_wait3A_85] : memref<8192xf32, #tpu.memory_space<vmem_shared>> -> memref<8192xf32, #tpu.memory_space<vmem_shared>>
      tpu.wait_indirect_dma semaphore(%run_scoped3A_78 : memref<!tpu.dma_semaphore, #tpu.memory_space<semaphore_mem>>) src(%arg8 : memref<128xf32, #tpu.memory_space<vmem>>) dst(%dma_wait3A_86 : memref<8192xf32, #tpu.memory_space<vmem_shared>>)
      tpu.yield
    }) : () -> ()
    %barrier3A_68 = arith.constant 0 : index
    tpu.barrier barrier_id(%barrier3A_68)
    %mul3A_69 = arith.constant 8192 : i32
    %mul3A_70 = arith.muli %arg0, %mul3A_69 : i32
    %mul3A_71 = arith.constant 512 : i32
    %mul3A_72 = arith.muli %arg1, %mul3A_71 : i32
    %add3A_73 = arith.addi %mul3A_70, %mul3A_72 : i32
    %mul3A_74 = arith.constant 512 : i32
    %mul3A_75 = arith.muli %arg1, %mul3A_74 : i32
    "tpu.region"() ({
      %run_scoped3A_78 = tpu.sem_alloc : memref<!tpu.dma_semaphore, #tpu.memory_space<semaphore_mem>>
      %dma_start3A = tpu.memref_slice %arg11[%mul3A_75] : memref<8192xf32, #tpu.memory_space<vmem_shared>> -> memref<512xf32, #tpu.memory_space<vmem_shared>>
      %dma_start3A_79 = tpu.memref_slice %arg11[%mul3A_75] : memref<8192xf32, #tpu.memory_space<vmem_shared>> -> memref<512xf32, #tpu.memory_space<vmem_shared>>
      tpu.enqueue_dma source(%dma_start3A_79 : memref<512xf32, #tpu.memory_space<vmem_shared>>) target(%arg9 : memref<512xf32, #tpu.memory_space<vmem>>) target_semaphore(%run_scoped3A_78 : memref<!tpu.dma_semaphore, #tpu.memory_space<semaphore_mem>>)
      %dma_wait3A = tpu.memref_slice %arg11[%mul3A_75] : memref<8192xf32, #tpu.memory_space<vmem_shared>> -> memref<512xf32, #tpu.memory_space<vmem_shared>>
      %dma_wait3A_80 = tpu.memref_slice %arg11[%mul3A_75] : memref<8192xf32, #tpu.memory_space<vmem_shared>> -> memref<512xf32, #tpu.memory_space<vmem_shared>>
      tpu.wait_dma2 semaphore(%run_scoped3A_78 : memref<!tpu.dma_semaphore, #tpu.memory_space<semaphore_mem>>) src(%dma_wait3A_80 : memref<512xf32, #tpu.memory_space<vmem_shared>>) dst(%arg9 : memref<512xf32, #tpu.memory_space<vmem>>)
      tpu.yield
    }) : () -> ()
    "tpu.region"() ({
      %run_scoped3A_78 = tpu.sem_alloc : memref<!tpu.dma_semaphore, #tpu.memory_space<semaphore_mem>>
      %dma_start3A = tpu.memref_slice %arg4[%add3A_73] : memref<16384xf32, #tpu.memory_space<hbm>> -> memref<512xf32, #tpu.memory_space<hbm>>
      %dma_start3A_79 = tpu.memref_slice %arg4[%add3A_73] : memref<16384xf32, #tpu.memory_space<hbm>> -> memref<512xf32, #tpu.memory_space<hbm>>
      tpu.enqueue_dma source(%arg9 : memref<512xf32, #tpu.memory_space<vmem>>) target(%dma_start3A_79 : memref<512xf32, #tpu.memory_space<hbm>>) target_semaphore(%run_scoped3A_78 : memref<!tpu.dma_semaphore, #tpu.memory_space<semaphore_mem>>)
      %dma_wait3A = tpu.memref_slice %arg4[%add3A_73] : memref<16384xf32, #tpu.memory_space<hbm>> -> memref<512xf32, #tpu.memory_space<hbm>>
      %dma_wait3A_80 = tpu.memref_slice %arg4[%add3A_73] : memref<16384xf32, #tpu.memory_space<hbm>> -> memref<512xf32, #tpu.memory_space<hbm>>
      tpu.wait_dma2 semaphore(%run_scoped3A_78 : memref<!tpu.dma_semaphore, #tpu.memory_space<semaphore_mem>>) src(%arg9 : memref<512xf32, #tpu.memory_space<vmem>>) dst(%dma_wait3A_80 : memref<512xf32, #tpu.memory_space<hbm>>)
      tpu.yield
    }) : () -> ()
    %mul3A_76 = arith.constant 512 : i32
    %mul3A_77 = arith.muli %arg1, %mul3A_76 : i32
    "tpu.region"() ({
      %run_scoped3A_78 = tpu.sem_alloc : memref<!tpu.dma_semaphore, #tpu.memory_space<semaphore_mem>>
      %dma_start3A = tpu.memref_slice %arg12[%mul3A_77] : memref<8192xf32, #tpu.memory_space<vmem_shared>> -> memref<512xf32, #tpu.memory_space<vmem_shared>>
      %dma_start3A_79 = tpu.memref_slice %arg12[%mul3A_77] : memref<8192xf32, #tpu.memory_space<vmem_shared>> -> memref<512xf32, #tpu.memory_space<vmem_shared>>
      tpu.enqueue_dma source(%dma_start3A_79 : memref<512xf32, #tpu.memory_space<vmem_shared>>) target(%arg10 : memref<512xf32, #tpu.memory_space<vmem>>) target_semaphore(%run_scoped3A_78 : memref<!tpu.dma_semaphore, #tpu.memory_space<semaphore_mem>>)
      %dma_wait3A = tpu.memref_slice %arg12[%mul3A_77] : memref<8192xf32, #tpu.memory_space<vmem_shared>> -> memref<512xf32, #tpu.memory_space<vmem_shared>>
      %dma_wait3A_80 = tpu.memref_slice %arg12[%mul3A_77] : memref<8192xf32, #tpu.memory_space<vmem_shared>> -> memref<512xf32, #tpu.memory_space<vmem_shared>>
      tpu.wait_dma2 semaphore(%run_scoped3A_78 : memref<!tpu.dma_semaphore, #tpu.memory_space<semaphore_mem>>) src(%dma_wait3A_80 : memref<512xf32, #tpu.memory_space<vmem_shared>>) dst(%arg10 : memref<512xf32, #tpu.memory_space<vmem>>)
      tpu.yield
    }) : () -> ()
    "tpu.region"() ({
      %run_scoped3A_78 = tpu.sem_alloc : memref<!tpu.dma_semaphore, #tpu.memory_space<semaphore_mem>>
      %dma_start3A = tpu.memref_slice %arg5[%add3A_73] : memref<16384xf32, #tpu.memory_space<hbm>> -> memref<512xf32, #tpu.memory_space<hbm>>
      %dma_start3A_79 = tpu.memref_slice %arg5[%add3A_73] : memref<16384xf32, #tpu.memory_space<hbm>> -> memref<512xf32, #tpu.memory_space<hbm>>
      tpu.enqueue_dma source(%arg10 : memref<512xf32, #tpu.memory_space<vmem>>) target(%dma_start3A_79 : memref<512xf32, #tpu.memory_space<hbm>>) target_semaphore(%run_scoped3A_78 : memref<!tpu.dma_semaphore, #tpu.memory_space<semaphore_mem>>)
      %dma_wait3A = tpu.memref_slice %arg5[%add3A_73] : memref<16384xf32, #tpu.memory_space<hbm>> -> memref<512xf32, #tpu.memory_space<hbm>>
      %dma_wait3A_80 = tpu.memref_slice %arg5[%add3A_73] : memref<16384xf32, #tpu.memory_space<hbm>> -> memref<512xf32, #tpu.memory_space<hbm>>
      tpu.wait_dma2 semaphore(%run_scoped3A_78 : memref<!tpu.dma_semaphore, #tpu.memory_space<semaphore_mem>>) src(%arg10 : memref<512xf32, #tpu.memory_space<vmem>>) dst(%dma_wait3A_80 : memref<512xf32, #tpu.memory_space<hbm>>)
      tpu.yield
    }) : () -> ()
    return
  }
}

module attributes {stable_mosaic.version = 14 : i64} {
  func.func @_dist_kernel(%arg0: memref<64x16384xf32, #tpu.memory_space<vmem>>, %arg1: memref<128x128xi32, #tpu.memory_space<vmem>>, %arg2: memref<128x128xi32, #tpu.memory_space<vmem>>, %arg3: memref<128x128xf32, #tpu.memory_space<vmem>>, %arg4: memref<128x128xi32, #tpu.memory_space<vmem>>) attributes {dimension_semantics = [], scalar_prefetch = 0 : i64, scratch_operands = 0 : i64, tpu.core_type = #tpu.core_type<tc>} {
    %get3A = arith.constant 0 : index
    %get3A_0 = arith.constant 0 : index
    %get3A_1 = vector.load %arg0[%get3A, %get3A_0] : memref<64x16384xf32, #tpu.memory_space<vmem>>, vector<64x16384xf32>
    %reduce_sum3A = arith.constant dense<0.000000e+00> : vector<64xf32>
    %reduce_sum3A_2 = vector.multi_reduction <add>, %get3A_1, %reduce_sum3A [1] : vector<64x16384xf32> to vector<64xf32>
    %mul3A = arith.constant 6.10351563E-5 : f32
    %mul3A_3 = vector.broadcast %mul3A : f32 to vector<64xf32>
    %mul3A_4 = arith.mulf %reduce_sum3A_2, %mul3A_3 : vector<64xf32>
    %mul3A_5 = arith.mulf %mul3A_4, %mul3A_4 : vector<64xf32>
    %reduce_sum3A_6 = vector.shape_cast %mul3A_5 : vector<64xf32> to vector<1x64xf32>
    %reduce_sum3A_7 = arith.constant dense<0.000000e+00> : vector<1xf32>
    %reduce_sum3A_8 = vector.multi_reduction <add>, %reduce_sum3A_6, %reduce_sum3A_7 [1] : vector<1x64xf32> to vector<1xf32>
    %reduce_sum3A_9 = vector.shape_cast %reduce_sum3A_8 : vector<1xf32> to vector<1x1xf32>
    %reduce_sum3A_10 = vector.extract %reduce_sum3A_9[0, 0] : f32 from vector<1x1xf32>
    %sqrt3A = math.sqrt %reduce_sum3A_10 : f32
    %max3A = arith.constant 9.99999996E-13 : f32
    %max3A_11 = arith.maximumf %sqrt3A, %max3A : f32
    %div3A = vector.broadcast %max3A_11 : f32 to vector<64xf32>
    %div3A_12 = arith.divf %mul3A_4, %div3A : vector<64xf32>
    %reshape3A = vector.shape_cast %get3A_1 : vector<64x16384xf32> to vector<64x128x128xf32>
    %broadcast_in_dim3A = vector.shape_cast %div3A_12 : vector<64xf32> to vector<64x1x1xf32>
    %mul3A_13 = vector.broadcast %broadcast_in_dim3A : vector<64x1x1xf32> to vector<64x128x128xf32>
    %mul3A_14 = arith.mulf %reshape3A, %mul3A_13 : vector<64x128x128xf32>
    %reduce_sum3A_15 = arith.constant dense<0.000000e+00> : vector<128x128xf32>
    %reduce_sum3A_16 = vector.multi_reduction <add>, %mul3A_14, %reduce_sum3A_15 [0] : vector<64x128x128xf32> to vector<128x128xf32>
    %sub3A = arith.constant 1.000000e+00 : f32
    %sub3A_17 = vector.broadcast %sub3A : f32 to vector<128x128xf32>
    %sub3A_18 = arith.subf %sub3A_17, %reduce_sum3A_16 : vector<128x128xf32>
    %swap3A = arith.constant 0 : index
    %swap3A_19 = arith.constant 0 : index
    %swap3A_20 = vector.load %arg3[%swap3A, %swap3A_19] : memref<128x128xf32, #tpu.memory_space<vmem>>, vector<128x128xf32>
    tpu.vector_store %arg3[%swap3A, %swap3A_19], %sub3A_18 {strides = array<i32>} : memref<128x128xf32, #tpu.memory_space<vmem>>, vector<128x128xf32>,
    %get3A_21 = arith.constant 0 : index
    %get3A_22 = arith.constant 0 : index
    %get3A_23 = vector.load %arg2[%get3A_21, %get3A_22] : memref<128x128xi32, #tpu.memory_space<vmem>>, vector<128x128xi32>
    %mul3A_24 = arith.constant 1024 : i32
    %mul3A_25 = vector.broadcast %mul3A_24 : i32 to vector<128x128xi32>
    %mul3A_26 = arith.muli %get3A_23, %mul3A_25 : vector<128x128xi32>
    %get3A_27 = arith.constant 0 : index
    %get3A_28 = arith.constant 0 : index
    %get3A_29 = vector.load %arg1[%get3A_27, %get3A_28] : memref<128x128xi32, #tpu.memory_space<vmem>>, vector<128x128xi32>
    %add3A = arith.addi %mul3A_26, %get3A_29 : vector<128x128xi32>
    %swap3A_30 = arith.constant 0 : index
    %swap3A_31 = arith.constant 0 : index
    %swap3A_32 = vector.load %arg4[%swap3A_30, %swap3A_31] : memref<128x128xi32, #tpu.memory_space<vmem>>, vector<128x128xi32>
    tpu.vector_store %arg4[%swap3A_30, %swap3A_31], %add3A {strides = array<i32>} : memref<128x128xi32, #tpu.memory_space<vmem>>, vector<128x128xi32>,
    return
  }
}

module attributes {stable_mosaic.version = 14 : i64} {
  func.func @_loss_kernel(%arg0: memref<128x128xf32, #tpu.memory_space<vmem>>, %arg1: memref<128x128xf32, #tpu.memory_space<vmem>>, %arg2: memref<1x1xf32, #tpu.memory_space<vmem>>) attributes {dimension_semantics = [], scalar_prefetch = 0 : i64, scratch_operands = 0 : i64, tpu.core_type = #tpu.core_type<tc>} {
    %get3A = arith.constant 0 : index
    %get3A_0 = arith.constant 0 : index
    %get3A_1 = vector.load %arg0[%get3A, %get3A_0] : memref<128x128xf32, #tpu.memory_space<vmem>>, vector<128x128xf32>
    %get3A_2 = arith.constant 0 : index
    %get3A_3 = arith.constant 0 : index
    %get3A_4 = vector.load %arg1[%get3A_2, %get3A_3] : memref<128x128xf32, #tpu.memory_space<vmem>>, vector<128x128xf32>
    %slice3A = vector.extract_strided_slice %get3A_1 {offsets = [0, 0], sizes = [8, 128], strides = [1, 1]} : vector<128x128xf32> to vector<8x128xf32>
    %slice3A_5 = vector.extract_strided_slice %get3A_1 {offsets = [64, 0], sizes = [8, 128], strides = [1, 1]} : vector<128x128xf32> to vector<8x128xf32>
    %add3A = arith.addf %slice3A, %slice3A_5 : vector<8x128xf32>
    %slice3A_6 = vector.extract_strided_slice %get3A_4 {offsets = [0, 0], sizes = [8, 128], strides = [1, 1]} : vector<128x128xf32> to vector<8x128xf32>
    %slice3A_7 = vector.extract_strided_slice %get3A_4 {offsets = [64, 0], sizes = [8, 128], strides = [1, 1]} : vector<128x128xf32> to vector<8x128xf32>
    %add3A_8 = arith.addf %slice3A_6, %slice3A_7 : vector<8x128xf32>
    %gt3A = arith.constant 0.000000e+00 : f32
    %gt3A_9 = vector.broadcast %gt3A : f32 to vector<8x128xf32>
    %gt3A_10 = arith.cmpf ogt, %add3A_8, %gt3A_9 : vector<8x128xf32>
    %max3A = arith.constant 1.000000e+00 : f32
    %max3A_11 = vector.broadcast %max3A : f32 to vector<8x128xf32>
    %max3A_12 = arith.maximumf %add3A_8, %max3A_11 : vector<8x128xf32>
    %div3A = arith.divf %add3A, %max3A_12 : vector<8x128xf32>
    %jit3A = arith.constant 0.000000e+00 : f32
    %broadcast_in_dim3A = vector.broadcast %jit3A : f32 to vector<8x128xf32>
    %select_n3A = arith.select %gt3A_10, %div3A, %broadcast_in_dim3A : vector<8x128xi1>, vector<8x128xf32>
    %slice3A_13 = vector.extract_strided_slice %get3A_1 {offsets = [8, 0], sizes = [8, 128], strides = [1, 1]} : vector<128x128xf32> to vector<8x128xf32>
    %slice3A_14 = vector.extract_strided_slice %get3A_1 {offsets = [72, 0], sizes = [8, 128], strides = [1, 1]} : vector<128x128xf32> to vector<8x128xf32>
    %add3A_15 = arith.addf %slice3A_13, %slice3A_14 : vector<8x128xf32>
    %slice3A_16 = vector.extract_strided_slice %get3A_4 {offsets = [8, 0], sizes = [8, 128], strides = [1, 1]} : vector<128x128xf32> to vector<8x128xf32>
    %slice3A_17 = vector.extract_strided_slice %get3A_4 {offsets = [72, 0], sizes = [8, 128], strides = [1, 1]} : vector<128x128xf32> to vector<8x128xf32>
    %add3A_18 = arith.addf %slice3A_16, %slice3A_17 : vector<8x128xf32>
    %gt3A_19 = arith.constant 0.000000e+00 : f32
    %gt3A_20 = vector.broadcast %gt3A_19 : f32 to vector<8x128xf32>
    %gt3A_21 = arith.cmpf ogt, %add3A_18, %gt3A_20 : vector<8x128xf32>
    %max3A_22 = arith.constant 1.000000e+00 : f32
    %max3A_23 = vector.broadcast %max3A_22 : f32 to vector<8x128xf32>
    %max3A_24 = arith.maximumf %add3A_18, %max3A_23 : vector<8x128xf32>
    %div3A_25 = arith.divf %add3A_15, %max3A_24 : vector<8x128xf32>
    %jit3A_26 = arith.constant 0.000000e+00 : f32
    %broadcast_in_dim3A_27 = vector.broadcast %jit3A_26 : f32 to vector<8x128xf32>
    %select_n3A_28 = arith.select %gt3A_21, %div3A_25, %broadcast_in_dim3A_27 : vector<8x128xi1>, vector<8x128xf32>
    %slice3A_29 = vector.extract_strided_slice %get3A_1 {offsets = [16, 0], sizes = [8, 128], strides = [1, 1]} : vector<128x128xf32> to vector<8x128xf32>
    %slice3A_30 = vector.extract_strided_slice %get3A_1 {offsets = [80, 0], sizes = [8, 128], strides = [1, 1]} : vector<128x128xf32> to vector<8x128xf32>
    %add3A_31 = arith.addf %slice3A_29, %slice3A_30 : vector<8x128xf32>
    %slice3A_32 = vector.extract_strided_slice %get3A_4 {offsets = [16, 0], sizes = [8, 128], strides = [1, 1]} : vector<128x128xf32> to vector<8x128xf32>
    %slice3A_33 = vector.extract_strided_slice %get3A_4 {offsets = [80, 0], sizes = [8, 128], strides = [1, 1]} : vector<128x128xf32> to vector<8x128xf32>
    %add3A_34 = arith.addf %slice3A_32, %slice3A_33 : vector<8x128xf32>
    %gt3A_35 = arith.constant 0.000000e+00 : f32
    %gt3A_36 = vector.broadcast %gt3A_35 : f32 to vector<8x128xf32>
    %gt3A_37 = arith.cmpf ogt, %add3A_34, %gt3A_36 : vector<8x128xf32>
    %max3A_38 = arith.constant 1.000000e+00 : f32
    %max3A_39 = vector.broadcast %max3A_38 : f32 to vector<8x128xf32>
    %max3A_40 = arith.maximumf %add3A_34, %max3A_39 : vector<8x128xf32>
    %div3A_41 = arith.divf %add3A_31, %max3A_40 : vector<8x128xf32>
    %jit3A_42 = arith.constant 0.000000e+00 : f32
    %broadcast_in_dim3A_43 = vector.broadcast %jit3A_42 : f32 to vector<8x128xf32>
    %select_n3A_44 = arith.select %gt3A_37, %div3A_41, %broadcast_in_dim3A_43 : vector<8x128xi1>, vector<8x128xf32>
    %slice3A_45 = vector.extract_strided_slice %get3A_1 {offsets = [24, 0], sizes = [8, 128], strides = [1, 1]} : vector<128x128xf32> to vector<8x128xf32>
    %slice3A_46 = vector.extract_strided_slice %get3A_1 {offsets = [88, 0], sizes = [8, 128], strides = [1, 1]} : vector<128x128xf32> to vector<8x128xf32>
    %add3A_47 = arith.addf %slice3A_45, %slice3A_46 : vector<8x128xf32>
    %slice3A_48 = vector.extract_strided_slice %get3A_4 {offsets = [24, 0], sizes = [8, 128], strides = [1, 1]} : vector<128x128xf32> to vector<8x128xf32>
    %slice3A_49 = vector.extract_strided_slice %get3A_4 {offsets = [88, 0], sizes = [8, 128], strides = [1, 1]} : vector<128x128xf32> to vector<8x128xf32>
    %add3A_50 = arith.addf %slice3A_48, %slice3A_49 : vector<8x128xf32>
    %gt3A_51 = arith.constant 0.000000e+00 : f32
    %gt3A_52 = vector.broadcast %gt3A_51 : f32 to vector<8x128xf32>
    %gt3A_53 = arith.cmpf ogt, %add3A_50, %gt3A_52 : vector<8x128xf32>
    %max3A_54 = arith.constant 1.000000e+00 : f32
    %max3A_55 = vector.broadcast %max3A_54 : f32 to vector<8x128xf32>
    %max3A_56 = arith.maximumf %add3A_50, %max3A_55 : vector<8x128xf32>
    %div3A_57 = arith.divf %add3A_47, %max3A_56 : vector<8x128xf32>
    %jit3A_58 = arith.constant 0.000000e+00 : f32
    %broadcast_in_dim3A_59 = vector.broadcast %jit3A_58 : f32 to vector<8x128xf32>
    %select_n3A_60 = arith.select %gt3A_53, %div3A_57, %broadcast_in_dim3A_59 : vector<8x128xi1>, vector<8x128xf32>
    %slice3A_61 = vector.extract_strided_slice %get3A_1 {offsets = [32, 0], sizes = [8, 128], strides = [1, 1]} : vector<128x128xf32> to vector<8x128xf32>
    %slice3A_62 = vector.extract_strided_slice %get3A_1 {offsets = [96, 0], sizes = [8, 128], strides = [1, 1]} : vector<128x128xf32> to vector<8x128xf32>
    %add3A_63 = arith.addf %slice3A_61, %slice3A_62 : vector<8x128xf32>
    %slice3A_64 = vector.extract_strided_slice %get3A_4 {offsets = [32, 0], sizes = [8, 128], strides = [1, 1]} : vector<128x128xf32> to vector<8x128xf32>
    %slice3A_65 = vector.extract_strided_slice %get3A_4 {offsets = [96, 0], sizes = [8, 128], strides = [1, 1]} : vector<128x128xf32> to vector<8x128xf32>
    %add3A_66 = arith.addf %slice3A_64, %slice3A_65 : vector<8x128xf32>
    %gt3A_67 = arith.constant 0.000000e+00 : f32
    %gt3A_68 = vector.broadcast %gt3A_67 : f32 to vector<8x128xf32>
    %gt3A_69 = arith.cmpf ogt, %add3A_66, %gt3A_68 : vector<8x128xf32>
    %max3A_70 = arith.constant 1.000000e+00 : f32
    %max3A_71 = vector.broadcast %max3A_70 : f32 to vector<8x128xf32>
    %max3A_72 = arith.maximumf %add3A_66, %max3A_71 : vector<8x128xf32>
    %div3A_73 = arith.divf %add3A_63, %max3A_72 : vector<8x128xf32>
    %jit3A_74 = arith.constant 0.000000e+00 : f32
    %broadcast_in_dim3A_75 = vector.broadcast %jit3A_74 : f32 to vector<8x128xf32>
    %select_n3A_76 = arith.select %gt3A_69, %div3A_73, %broadcast_in_dim3A_75 : vector<8x128xi1>, vector<8x128xf32>
    %slice3A_77 = vector.extract_strided_slice %get3A_1 {offsets = [40, 0], sizes = [8, 128], strides = [1, 1]} : vector<128x128xf32> to vector<8x128xf32>
    %slice3A_78 = vector.extract_strided_slice %get3A_1 {offsets = [104, 0], sizes = [8, 128], strides = [1, 1]} : vector<128x128xf32> to vector<8x128xf32>
    %add3A_79 = arith.addf %slice3A_77, %slice3A_78 : vector<8x128xf32>
    %slice3A_80 = vector.extract_strided_slice %get3A_4 {offsets = [40, 0], sizes = [8, 128], strides = [1, 1]} : vector<128x128xf32> to vector<8x128xf32>
    %slice3A_81 = vector.extract_strided_slice %get3A_4 {offsets = [104, 0], sizes = [8, 128], strides = [1, 1]} : vector<128x128xf32> to vector<8x128xf32>
    %add3A_82 = arith.addf %slice3A_80, %slice3A_81 : vector<8x128xf32>
    %gt3A_83 = arith.constant 0.000000e+00 : f32
    %gt3A_84 = vector.broadcast %gt3A_83 : f32 to vector<8x128xf32>
    %gt3A_85 = arith.cmpf ogt, %add3A_82, %gt3A_84 : vector<8x128xf32>
    %max3A_86 = arith.constant 1.000000e+00 : f32
    %max3A_87 = vector.broadcast %max3A_86 : f32 to vector<8x128xf32>
    %max3A_88 = arith.maximumf %add3A_82, %max3A_87 : vector<8x128xf32>
    %div3A_89 = arith.divf %add3A_79, %max3A_88 : vector<8x128xf32>
    %jit3A_90 = arith.constant 0.000000e+00 : f32
    %broadcast_in_dim3A_91 = vector.broadcast %jit3A_90 : f32 to vector<8x128xf32>
    %select_n3A_92 = arith.select %gt3A_85, %div3A_89, %broadcast_in_dim3A_91 : vector<8x128xi1>, vector<8x128xf32>
    %slice3A_93 = vector.extract_strided_slice %get3A_1 {offsets = [48, 0], sizes = [8, 128], strides = [1, 1]} : vector<128x128xf32> to vector<8x128xf32>
    %slice3A_94 = vector.extract_strided_slice %get3A_1 {offsets = [112, 0], sizes = [8, 128], strides = [1, 1]} : vector<128x128xf32> to vector<8x128xf32>
    %add3A_95 = arith.addf %slice3A_93, %slice3A_94 : vector<8x128xf32>
    %slice3A_96 = vector.extract_strided_slice %get3A_4 {offsets = [48, 0], sizes = [8, 128], strides = [1, 1]} : vector<128x128xf32> to vector<8x128xf32>
    %slice3A_97 = vector.extract_strided_slice %get3A_4 {offsets = [112, 0], sizes = [8, 128], strides = [1, 1]} : vector<128x128xf32> to vector<8x128xf32>
    %add3A_98 = arith.addf %slice3A_96, %slice3A_97 : vector<8x128xf32>
    %gt3A_99 = arith.constant 0.000000e+00 : f32
    %gt3A_100 = vector.broadcast %gt3A_99 : f32 to vector<8x128xf32>
    %gt3A_101 = arith.cmpf ogt, %add3A_98, %gt3A_100 : vector<8x128xf32>
    %max3A_102 = arith.constant 1.000000e+00 : f32
    %max3A_103 = vector.broadcast %max3A_102 : f32 to vector<8x128xf32>
    %max3A_104 = arith.maximumf %add3A_98, %max3A_103 : vector<8x128xf32>
    %div3A_105 = arith.divf %add3A_95, %max3A_104 : vector<8x128xf32>
    %jit3A_106 = arith.constant 0.000000e+00 : f32
    %broadcast_in_dim3A_107 = vector.broadcast %jit3A_106 : f32 to vector<8x128xf32>
    %select_n3A_108 = arith.select %gt3A_101, %div3A_105, %broadcast_in_dim3A_107 : vector<8x128xi1>, vector<8x128xf32>
    %slice3A_109 = vector.extract_strided_slice %get3A_1 {offsets = [56, 0], sizes = [8, 128], strides = [1, 1]} : vector<128x128xf32> to vector<8x128xf32>
    %slice3A_110 = vector.extract_strided_slice %get3A_1 {offsets = [120, 0], sizes = [8, 128], strides = [1, 1]} : vector<128x128xf32> to vector<8x128xf32>
    %add3A_111 = arith.addf %slice3A_109, %slice3A_110 : vector<8x128xf32>
    %slice3A_112 = vector.extract_strided_slice %get3A_4 {offsets = [56, 0], sizes = [8, 128], strides = [1, 1]} : vector<128x128xf32> to vector<8x128xf32>
    %slice3A_113 = vector.extract_strided_slice %get3A_4 {offsets = [120, 0], sizes = [8, 128], strides = [1, 1]} : vector<128x128xf32> to vector<8x128xf32>
    %add3A_114 = arith.addf %slice3A_112, %slice3A_113 : vector<8x128xf32>
    %gt3A_115 = arith.constant 0.000000e+00 : f32
    %gt3A_116 = vector.broadcast %gt3A_115 : f32 to vector<8x128xf32>
    %gt3A_117 = arith.cmpf ogt, %add3A_114, %gt3A_116 : vector<8x128xf32>
    %max3A_118 = arith.constant 1.000000e+00 : f32
    %max3A_119 = vector.broadcast %max3A_118 : f32 to vector<8x128xf32>
    %max3A_120 = arith.maximumf %add3A_114, %max3A_119 : vector<8x128xf32>
    %div3A_121 = arith.divf %add3A_111, %max3A_120 : vector<8x128xf32>
    %jit3A_122 = arith.constant 0.000000e+00 : f32
    %broadcast_in_dim3A_123 = vector.broadcast %jit3A_122 : f32 to vector<8x128xf32>
    %select_n3A_124 = arith.select %gt3A_117, %div3A_121, %broadcast_in_dim3A_123 : vector<8x128xi1>, vector<8x128xf32>
    %broadcast_in_dim3A_125 = arith.constant 0.000000e+00 : f32
    %broadcast_in_dim3A_126 = vector.broadcast %broadcast_in_dim3A_125 : f32 to vector<8x128xf32>
    %broadcast_in_dim3A_127 = arith.constant 0.000000e+00 : f32
    %broadcast_in_dim3A_128 = vector.broadcast %broadcast_in_dim3A_127 : f32 to vector<8x128xf32>
    %and3A = arith.andi %gt3A_10, %gt3A_21 : vector<8x128xi1>
    %sub3A = arith.subf %select_n3A_28, %select_n3A : vector<8x128xf32>
    %sub3A_129 = arith.constant 1.000000e-01 : f32
    %sub3A_130 = vector.broadcast %sub3A_129 : f32 to vector<8x128xf32>
    %sub3A_131 = arith.subf %sub3A_130, %sub3A : vector<8x128xf32>
    %max3A_132 = arith.constant 0.000000e+00 : f32
    %max3A_133 = vector.broadcast %max3A_132 : f32 to vector<8x128xf32>
    %max3A_134 = arith.maximumf %sub3A_131, %max3A_133 : vector<8x128xf32>
    %jit3A_135 = arith.constant 0.000000e+00 : f32
    %broadcast_in_dim3A_136 = vector.broadcast %jit3A_135 : f32 to vector<8x128xf32>
    %select_n3A_137 = arith.select %and3A, %max3A_134, %broadcast_in_dim3A_136 : vector<8x128xi1>, vector<8x128xf32>
    %add3A_138 = arith.addf %broadcast_in_dim3A_126, %select_n3A_137 : vector<8x128xf32>
    %convert_element_type3A = arith.extui %and3A : vector<8x128xi1> to vector<8x128xi32>
    %convert_element_type3A_139 = arith.sitofp %convert_element_type3A : vector<8x128xi32> to vector<8x128xf32>
    %add3A_140 = arith.addf %broadcast_in_dim3A_128, %convert_element_type3A_139 : vector<8x128xf32>
    %and3A_141 = arith.andi %gt3A_10, %gt3A_37 : vector<8x128xi1>
    %not3A = arith.constant dense<true> : vector<8x128xi1>
    %not3A_142 = arith.xori %gt3A_21, %not3A : vector<8x128xi1>
    %and3A_143 = arith.andi %and3A_141, %not3A_142 : vector<8x128xi1>
    %sub3A_144 = arith.subf %select_n3A_44, %select_n3A : vector<8x128xf32>
    %sub3A_145 = arith.constant 1.000000e-01 : f32
    %sub3A_146 = vector.broadcast %sub3A_145 : f32 to vector<8x128xf32>
    %sub3A_147 = arith.subf %sub3A_146, %sub3A_144 : vector<8x128xf32>
    %max3A_148 = arith.constant 0.000000e+00 : f32
    %max3A_149 = vector.broadcast %max3A_148 : f32 to vector<8x128xf32>
    %max3A_150 = arith.maximumf %sub3A_147, %max3A_149 : vector<8x128xf32>
    %jit3A_151 = arith.constant 0.000000e+00 : f32
    %broadcast_in_dim3A_152 = vector.broadcast %jit3A_151 : f32 to vector<8x128xf32>
    %select_n3A_153 = arith.select %and3A_143, %max3A_150, %broadcast_in_dim3A_152 : vector<8x128xi1>, vector<8x128xf32>
    %add3A_154 = arith.addf %add3A_138, %select_n3A_153 : vector<8x128xf32>
    %convert_element_type3A_155 = arith.extui %and3A_143 : vector<8x128xi1> to vector<8x128xi32>
    %convert_element_type3A_156 = arith.sitofp %convert_element_type3A_155 : vector<8x128xi32> to vector<8x128xf32>
    %add3A_157 = arith.addf %add3A_140, %convert_element_type3A_156 : vector<8x128xf32>
    %and3A_158 = arith.andi %gt3A_10, %gt3A_53 : vector<8x128xi1>
    %not3A_159 = arith.constant dense<true> : vector<8x128xi1>
    %not3A_160 = arith.xori %gt3A_21, %not3A_159 : vector<8x128xi1>
    %and3A_161 = arith.andi %and3A_158, %not3A_160 : vector<8x128xi1>
    %not3A_162 = arith.constant dense<true> : vector<8x128xi1>
    %not3A_163 = arith.xori %gt3A_37, %not3A_162 : vector<8x128xi1>
    %and3A_164 = arith.andi %and3A_161, %not3A_163 : vector<8x128xi1>
    %sub3A_165 = arith.subf %select_n3A_60, %select_n3A : vector<8x128xf32>
    %sub3A_166 = arith.constant 1.000000e-01 : f32
    %sub3A_167 = vector.broadcast %sub3A_166 : f32 to vector<8x128xf32>
    %sub3A_168 = arith.subf %sub3A_167, %sub3A_165 : vector<8x128xf32>
    %max3A_169 = arith.constant 0.000000e+00 : f32
    %max3A_170 = vector.broadcast %max3A_169 : f32 to vector<8x128xf32>
    %max3A_171 = arith.maximumf %sub3A_168, %max3A_170 : vector<8x128xf32>
    %jit3A_172 = arith.constant 0.000000e+00 : f32
    %broadcast_in_dim3A_173 = vector.broadcast %jit3A_172 : f32 to vector<8x128xf32>
    %select_n3A_174 = arith.select %and3A_164, %max3A_171, %broadcast_in_dim3A_173 : vector<8x128xi1>, vector<8x128xf32>
    %add3A_175 = arith.addf %add3A_154, %select_n3A_174 : vector<8x128xf32>
    %convert_element_type3A_176 = arith.extui %and3A_164 : vector<8x128xi1> to vector<8x128xi32>
    %convert_element_type3A_177 = arith.sitofp %convert_element_type3A_176 : vector<8x128xi32> to vector<8x128xf32>
    %add3A_178 = arith.addf %add3A_157, %convert_element_type3A_177 : vector<8x128xf32>
    %and3A_179 = arith.andi %gt3A_10, %gt3A_69 : vector<8x128xi1>
    %not3A_180 = arith.constant dense<true> : vector<8x128xi1>
    %not3A_181 = arith.xori %gt3A_21, %not3A_180 : vector<8x128xi1>
    %and3A_182 = arith.andi %and3A_179, %not3A_181 : vector<8x128xi1>
    %not3A_183 = arith.constant dense<true> : vector<8x128xi1>
    %not3A_184 = arith.xori %gt3A_37, %not3A_183 : vector<8x128xi1>
    %and3A_185 = arith.andi %and3A_182, %not3A_184 : vector<8x128xi1>
    %not3A_186 = arith.constant dense<true> : vector<8x128xi1>
    %not3A_187 = arith.xori %gt3A_53, %not3A_186 : vector<8x128xi1>
    %and3A_188 = arith.andi %and3A_185, %not3A_187 : vector<8x128xi1>
    %sub3A_189 = arith.subf %select_n3A_76, %select_n3A : vector<8x128xf32>
    %sub3A_190 = arith.constant 1.000000e-01 : f32
    %sub3A_191 = vector.broadcast %sub3A_190 : f32 to vector<8x128xf32>
    %sub3A_192 = arith.subf %sub3A_191, %sub3A_189 : vector<8x128xf32>
    %max3A_193 = arith.constant 0.000000e+00 : f32
    %max3A_194 = vector.broadcast %max3A_193 : f32 to vector<8x128xf32>
    %max3A_195 = arith.maximumf %sub3A_192, %max3A_194 : vector<8x128xf32>
    %jit3A_196 = arith.constant 0.000000e+00 : f32
    %broadcast_in_dim3A_197 = vector.broadcast %jit3A_196 : f32 to vector<8x128xf32>
    %select_n3A_198 = arith.select %and3A_188, %max3A_195, %broadcast_in_dim3A_197 : vector<8x128xi1>, vector<8x128xf32>
    %add3A_199 = arith.addf %add3A_175, %select_n3A_198 : vector<8x128xf32>
    %convert_element_type3A_200 = arith.extui %and3A_188 : vector<8x128xi1> to vector<8x128xi32>
    %convert_element_type3A_201 = arith.sitofp %convert_element_type3A_200 : vector<8x128xi32> to vector<8x128xf32>
    %add3A_202 = arith.addf %add3A_178, %convert_element_type3A_201 : vector<8x128xf32>
    %and3A_203 = arith.andi %gt3A_10, %gt3A_85 : vector<8x128xi1>
    %not3A_204 = arith.constant dense<true> : vector<8x128xi1>
    %not3A_205 = arith.xori %gt3A_21, %not3A_204 : vector<8x128xi1>
    %and3A_206 = arith.andi %and3A_203, %not3A_205 : vector<8x128xi1>
    %not3A_207 = arith.constant dense<true> : vector<8x128xi1>
    %not3A_208 = arith.xori %gt3A_37, %not3A_207 : vector<8x128xi1>
    %and3A_209 = arith.andi %and3A_206, %not3A_208 : vector<8x128xi1>
    %not3A_210 = arith.constant dense<true> : vector<8x128xi1>
    %not3A_211 = arith.xori %gt3A_53, %not3A_210 : vector<8x128xi1>
    %and3A_212 = arith.andi %and3A_209, %not3A_211 : vector<8x128xi1>
    %not3A_213 = arith.constant dense<true> : vector<8x128xi1>
    %not3A_214 = arith.xori %gt3A_69, %not3A_213 : vector<8x128xi1>
    %and3A_215 = arith.andi %and3A_212, %not3A_214 : vector<8x128xi1>
    %sub3A_216 = arith.subf %select_n3A_92, %select_n3A : vector<8x128xf32>
    %sub3A_217 = arith.constant 1.000000e-01 : f32
    %sub3A_218 = vector.broadcast %sub3A_217 : f32 to vector<8x128xf32>
    %sub3A_219 = arith.subf %sub3A_218, %sub3A_216 : vector<8x128xf32>
    %max3A_220 = arith.constant 0.000000e+00 : f32
    %max3A_221 = vector.broadcast %max3A_220 : f32 to vector<8x128xf32>
    %max3A_222 = arith.maximumf %sub3A_219, %max3A_221 : vector<8x128xf32>
    %jit3A_223 = arith.constant 0.000000e+00 : f32
    %broadcast_in_dim3A_224 = vector.broadcast %jit3A_223 : f32 to vector<8x128xf32>
    %select_n3A_225 = arith.select %and3A_215, %max3A_222, %broadcast_in_dim3A_224 : vector<8x128xi1>, vector<8x128xf32>
    %add3A_226 = arith.addf %add3A_199, %select_n3A_225 : vector<8x128xf32>
    %convert_element_type3A_227 = arith.extui %and3A_215 : vector<8x128xi1> to vector<8x128xi32>
    %convert_element_type3A_228 = arith.sitofp %convert_element_type3A_227 : vector<8x128xi32> to vector<8x128xf32>
    %add3A_229 = arith.addf %add3A_202, %convert_element_type3A_228 : vector<8x128xf32>
    %and3A_230 = arith.andi %gt3A_10, %gt3A_101 : vector<8x128xi1>
    %not3A_231 = arith.constant dense<true> : vector<8x128xi1>
    %not3A_232 = arith.xori %gt3A_21, %not3A_231 : vector<8x128xi1>
    %and3A_233 = arith.andi %and3A_230, %not3A_232 : vector<8x128xi1>
    %not3A_234 = arith.constant dense<true> : vector<8x128xi1>
    %not3A_235 = arith.xori %gt3A_37, %not3A_234 : vector<8x128xi1>
    %and3A_236 = arith.andi %and3A_233, %not3A_235 : vector<8x128xi1>
    %not3A_237 = arith.constant dense<true> : vector<8x128xi1>
    %not3A_238 = arith.xori %gt3A_53, %not3A_237 : vector<8x128xi1>
    %and3A_239 = arith.andi %and3A_236, %not3A_238 : vector<8x128xi1>
    %not3A_240 = arith.constant dense<true> : vector<8x128xi1>
    %not3A_241 = arith.xori %gt3A_69, %not3A_240 : vector<8x128xi1>
    %and3A_242 = arith.andi %and3A_239, %not3A_241 : vector<8x128xi1>
    %not3A_243 = arith.constant dense<true> : vector<8x128xi1>
    %not3A_244 = arith.xori %gt3A_85, %not3A_243 : vector<8x128xi1>
    %and3A_245 = arith.andi %and3A_242, %not3A_244 : vector<8x128xi1>
    %sub3A_246 = arith.subf %select_n3A_108, %select_n3A : vector<8x128xf32>
    %sub3A_247 = arith.constant 1.000000e-01 : f32
    %sub3A_248 = vector.broadcast %sub3A_247 : f32 to vector<8x128xf32>
    %sub3A_249 = arith.subf %sub3A_248, %sub3A_246 : vector<8x128xf32>
    %max3A_250 = arith.constant 0.000000e+00 : f32
    %max3A_251 = vector.broadcast %max3A_250 : f32 to vector<8x128xf32>
    %max3A_252 = arith.maximumf %sub3A_249, %max3A_251 : vector<8x128xf32>
    %jit3A_253 = arith.constant 0.000000e+00 : f32
    %broadcast_in_dim3A_254 = vector.broadcast %jit3A_253 : f32 to vector<8x128xf32>
    %select_n3A_255 = arith.select %and3A_245, %max3A_252, %broadcast_in_dim3A_254 : vector<8x128xi1>, vector<8x128xf32>
    %add3A_256 = arith.addf %add3A_226, %select_n3A_255 : vector<8x128xf32>
    %convert_element_type3A_257 = arith.extui %and3A_245 : vector<8x128xi1> to vector<8x128xi32>
    %convert_element_type3A_258 = arith.sitofp %convert_element_type3A_257 : vector<8x128xi32> to vector<8x128xf32>
    %add3A_259 = arith.addf %add3A_229, %convert_element_type3A_258 : vector<8x128xf32>
    %and3A_260 = arith.andi %gt3A_10, %gt3A_117 : vector<8x128xi1>
    %not3A_261 = arith.constant dense<true> : vector<8x128xi1>
    %not3A_262 = arith.xori %gt3A_21, %not3A_261 : vector<8x128xi1>
    %and3A_263 = arith.andi %and3A_260, %not3A_262 : vector<8x128xi1>
    %not3A_264 = arith.constant dense<true> : vector<8x128xi1>
    %not3A_265 = arith.xori %gt3A_37, %not3A_264 : vector<8x128xi1>
    %and3A_266 = arith.andi %and3A_263, %not3A_265 : vector<8x128xi1>
    %not3A_267 = arith.constant dense<true> : vector<8x128xi1>
    %not3A_268 = arith.xori %gt3A_53, %not3A_267 : vector<8x128xi1>
    %and3A_269 = arith.andi %and3A_266, %not3A_268 : vector<8x128xi1>
    %not3A_270 = arith.constant dense<true> : vector<8x128xi1>
    %not3A_271 = arith.xori %gt3A_69, %not3A_270 : vector<8x128xi1>
    %and3A_272 = arith.andi %and3A_269, %not3A_271 : vector<8x128xi1>
    %not3A_273 = arith.constant dense<true> : vector<8x128xi1>
    %not3A_274 = arith.xori %gt3A_85, %not3A_273 : vector<8x128xi1>
    %and3A_275 = arith.andi %and3A_272, %not3A_274 : vector<8x128xi1>
    %not3A_276 = arith.constant dense<true> : vector<8x128xi1>
    %not3A_277 = arith.xori %gt3A_101, %not3A_276 : vector<8x128xi1>
    %and3A_278 = arith.andi %and3A_275, %not3A_277 : vector<8x128xi1>
    %sub3A_279 = arith.subf %select_n3A_124, %select_n3A : vector<8x128xf32>
    %sub3A_280 = arith.constant 1.000000e-01 : f32
    %sub3A_281 = vector.broadcast %sub3A_280 : f32 to vector<8x128xf32>
    %sub3A_282 = arith.subf %sub3A_281, %sub3A_279 : vector<8x128xf32>
    %max3A_283 = arith.constant 0.000000e+00 : f32
    %max3A_284 = vector.broadcast %max3A_283 : f32 to vector<8x128xf32>
    %max3A_285 = arith.maximumf %sub3A_282, %max3A_284 : vector<8x128xf32>
    %jit3A_286 = arith.constant 0.000000e+00 : f32
    %broadcast_in_dim3A_287 = vector.broadcast %jit3A_286 : f32 to vector<8x128xf32>
    %select_n3A_288 = arith.select %and3A_278, %max3A_285, %broadcast_in_dim3A_287 : vector<8x128xi1>, vector<8x128xf32>
    %add3A_289 = arith.addf %add3A_256, %select_n3A_288 : vector<8x128xf32>
    %convert_element_type3A_290 = arith.extui %and3A_278 : vector<8x128xi1> to vector<8x128xi32>
    %convert_element_type3A_291 = arith.sitofp %convert_element_type3A_290 : vector<8x128xi32> to vector<8x128xf32>
    %add3A_292 = arith.addf %add3A_259, %convert_element_type3A_291 : vector<8x128xf32>
    %and3A_293 = arith.andi %gt3A_21, %gt3A_37 : vector<8x128xi1>
    %sub3A_294 = arith.subf %select_n3A_44, %select_n3A_28 : vector<8x128xf32>
    %sub3A_295 = arith.constant 1.000000e-01 : f32
    %sub3A_296 = vector.broadcast %sub3A_295 : f32 to vector<8x128xf32>
    %sub3A_297 = arith.subf %sub3A_296, %sub3A_294 : vector<8x128xf32>
    %max3A_298 = arith.constant 0.000000e+00 : f32
    %max3A_299 = vector.broadcast %max3A_298 : f32 to vector<8x128xf32>
    %max3A_300 = arith.maximumf %sub3A_297, %max3A_299 : vector<8x128xf32>
    %jit3A_301 = arith.constant 0.000000e+00 : f32
    %broadcast_in_dim3A_302 = vector.broadcast %jit3A_301 : f32 to vector<8x128xf32>
    %select_n3A_303 = arith.select %and3A_293, %max3A_300, %broadcast_in_dim3A_302 : vector<8x128xi1>, vector<8x128xf32>
    %add3A_304 = arith.addf %add3A_289, %select_n3A_303 : vector<8x128xf32>
    %convert_element_type3A_305 = arith.extui %and3A_293 : vector<8x128xi1> to vector<8x128xi32>
    %convert_element_type3A_306 = arith.sitofp %convert_element_type3A_305 : vector<8x128xi32> to vector<8x128xf32>
    %add3A_307 = arith.addf %add3A_292, %convert_element_type3A_306 : vector<8x128xf32>
    %and3A_308 = arith.andi %gt3A_21, %gt3A_53 : vector<8x128xi1>
    %not3A_309 = arith.constant dense<true> : vector<8x128xi1>
    %not3A_310 = arith.xori %gt3A_37, %not3A_309 : vector<8x128xi1>
    %and3A_311 = arith.andi %and3A_308, %not3A_310 : vector<8x128xi1>
    %sub3A_312 = arith.subf %select_n3A_60, %select_n3A_28 : vector<8x128xf32>
    %sub3A_313 = arith.constant 1.000000e-01 : f32
    %sub3A_314 = vector.broadcast %sub3A_313 : f32 to vector<8x128xf32>
    %sub3A_315 = arith.subf %sub3A_314, %sub3A_312 : vector<8x128xf32>
    %max3A_316 = arith.constant 0.000000e+00 : f32
    %max3A_317 = vector.broadcast %max3A_316 : f32 to vector<8x128xf32>
    %max3A_318 = arith.maximumf %sub3A_315, %max3A_317 : vector<8x128xf32>
    %jit3A_319 = arith.constant 0.000000e+00 : f32
    %broadcast_in_dim3A_320 = vector.broadcast %jit3A_319 : f32 to vector<8x128xf32>
    %select_n3A_321 = arith.select %and3A_311, %max3A_318, %broadcast_in_dim3A_320 : vector<8x128xi1>, vector<8x128xf32>
    %add3A_322 = arith.addf %add3A_304, %select_n3A_321 : vector<8x128xf32>
    %convert_element_type3A_323 = arith.extui %and3A_311 : vector<8x128xi1> to vector<8x128xi32>
    %convert_element_type3A_324 = arith.sitofp %convert_element_type3A_323 : vector<8x128xi32> to vector<8x128xf32>
    %add3A_325 = arith.addf %add3A_307, %convert_element_type3A_324 : vector<8x128xf32>
    %and3A_326 = arith.andi %gt3A_21, %gt3A_69 : vector<8x128xi1>
    %not3A_327 = arith.constant dense<true> : vector<8x128xi1>
    %not3A_328 = arith.xori %gt3A_37, %not3A_327 : vector<8x128xi1>
    %and3A_329 = arith.andi %and3A_326, %not3A_328 : vector<8x128xi1>
    %not3A_330 = arith.constant dense<true> : vector<8x128xi1>
    %not3A_331 = arith.xori %gt3A_53, %not3A_330 : vector<8x128xi1>
    %and3A_332 = arith.andi %and3A_329, %not3A_331 : vector<8x128xi1>
    %sub3A_333 = arith.subf %select_n3A_76, %select_n3A_28 : vector<8x128xf32>
    %sub3A_334 = arith.constant 1.000000e-01 : f32
    %sub3A_335 = vector.broadcast %sub3A_334 : f32 to vector<8x128xf32>
    %sub3A_336 = arith.subf %sub3A_335, %sub3A_333 : vector<8x128xf32>
    %max3A_337 = arith.constant 0.000000e+00 : f32
    %max3A_338 = vector.broadcast %max3A_337 : f32 to vector<8x128xf32>
    %max3A_339 = arith.maximumf %sub3A_336, %max3A_338 : vector<8x128xf32>
    %jit3A_340 = arith.constant 0.000000e+00 : f32
    %broadcast_in_dim3A_341 = vector.broadcast %jit3A_340 : f32 to vector<8x128xf32>
    %select_n3A_342 = arith.select %and3A_332, %max3A_339, %broadcast_in_dim3A_341 : vector<8x128xi1>, vector<8x128xf32>
    %add3A_343 = arith.addf %add3A_322, %select_n3A_342 : vector<8x128xf32>
    %convert_element_type3A_344 = arith.extui %and3A_332 : vector<8x128xi1> to vector<8x128xi32>
    %convert_element_type3A_345 = arith.sitofp %convert_element_type3A_344 : vector<8x128xi32> to vector<8x128xf32>
    %add3A_346 = arith.addf %add3A_325, %convert_element_type3A_345 : vector<8x128xf32>
    %and3A_347 = arith.andi %gt3A_21, %gt3A_85 : vector<8x128xi1>
    %not3A_348 = arith.constant dense<true> : vector<8x128xi1>
    %not3A_349 = arith.xori %gt3A_37, %not3A_348 : vector<8x128xi1>
    %and3A_350 = arith.andi %and3A_347, %not3A_349 : vector<8x128xi1>
    %not3A_351 = arith.constant dense<true> : vector<8x128xi1>
    %not3A_352 = arith.xori %gt3A_53, %not3A_351 : vector<8x128xi1>
    %and3A_353 = arith.andi %and3A_350, %not3A_352 : vector<8x128xi1>
    %not3A_354 = arith.constant dense<true> : vector<8x128xi1>
    %not3A_355 = arith.xori %gt3A_69, %not3A_354 : vector<8x128xi1>
    %and3A_356 = arith.andi %and3A_353, %not3A_355 : vector<8x128xi1>
    %sub3A_357 = arith.subf %select_n3A_92, %select_n3A_28 : vector<8x128xf32>
    %sub3A_358 = arith.constant 1.000000e-01 : f32
    %sub3A_359 = vector.broadcast %sub3A_358 : f32 to vector<8x128xf32>
    %sub3A_360 = arith.subf %sub3A_359, %sub3A_357 : vector<8x128xf32>
    %max3A_361 = arith.constant 0.000000e+00 : f32
    %max3A_362 = vector.broadcast %max3A_361 : f32 to vector<8x128xf32>
    %max3A_363 = arith.maximumf %sub3A_360, %max3A_362 : vector<8x128xf32>
    %jit3A_364 = arith.constant 0.000000e+00 : f32
    %broadcast_in_dim3A_365 = vector.broadcast %jit3A_364 : f32 to vector<8x128xf32>
    %select_n3A_366 = arith.select %and3A_356, %max3A_363, %broadcast_in_dim3A_365 : vector<8x128xi1>, vector<8x128xf32>
    %add3A_367 = arith.addf %add3A_343, %select_n3A_366 : vector<8x128xf32>
    %convert_element_type3A_368 = arith.extui %and3A_356 : vector<8x128xi1> to vector<8x128xi32>
    %convert_element_type3A_369 = arith.sitofp %convert_element_type3A_368 : vector<8x128xi32> to vector<8x128xf32>
    %add3A_370 = arith.addf %add3A_346, %convert_element_type3A_369 : vector<8x128xf32>
    %and3A_371 = arith.andi %gt3A_21, %gt3A_101 : vector<8x128xi1>
    %not3A_372 = arith.constant dense<true> : vector<8x128xi1>
    %not3A_373 = arith.xori %gt3A_37, %not3A_372 : vector<8x128xi1>
    %and3A_374 = arith.andi %and3A_371, %not3A_373 : vector<8x128xi1>
    %not3A_375 = arith.constant dense<true> : vector<8x128xi1>
    %not3A_376 = arith.xori %gt3A_53, %not3A_375 : vector<8x128xi1>
    %and3A_377 = arith.andi %and3A_374, %not3A_376 : vector<8x128xi1>
    %not3A_378 = arith.constant dense<true> : vector<8x128xi1>
    %not3A_379 = arith.xori %gt3A_69, %not3A_378 : vector<8x128xi1>
    %and3A_380 = arith.andi %and3A_377, %not3A_379 : vector<8x128xi1>
    %not3A_381 = arith.constant dense<true> : vector<8x128xi1>
    %not3A_382 = arith.xori %gt3A_85, %not3A_381 : vector<8x128xi1>
    %and3A_383 = arith.andi %and3A_380, %not3A_382 : vector<8x128xi1>
    %sub3A_384 = arith.subf %select_n3A_108, %select_n3A_28 : vector<8x128xf32>
    %sub3A_385 = arith.constant 1.000000e-01 : f32
    %sub3A_386 = vector.broadcast %sub3A_385 : f32 to vector<8x128xf32>
    %sub3A_387 = arith.subf %sub3A_386, %sub3A_384 : vector<8x128xf32>
    %max3A_388 = arith.constant 0.000000e+00 : f32
    %max3A_389 = vector.broadcast %max3A_388 : f32 to vector<8x128xf32>
    %max3A_390 = arith.maximumf %sub3A_387, %max3A_389 : vector<8x128xf32>
    %jit3A_391 = arith.constant 0.000000e+00 : f32
    %broadcast_in_dim3A_392 = vector.broadcast %jit3A_391 : f32 to vector<8x128xf32>
    %select_n3A_393 = arith.select %and3A_383, %max3A_390, %broadcast_in_dim3A_392 : vector<8x128xi1>, vector<8x128xf32>
    %add3A_394 = arith.addf %add3A_367, %select_n3A_393 : vector<8x128xf32>
    %convert_element_type3A_395 = arith.extui %and3A_383 : vector<8x128xi1> to vector<8x128xi32>
    %convert_element_type3A_396 = arith.sitofp %convert_element_type3A_395 : vector<8x128xi32> to vector<8x128xf32>
    %add3A_397 = arith.addf %add3A_370, %convert_element_type3A_396 : vector<8x128xf32>
    %and3A_398 = arith.andi %gt3A_21, %gt3A_117 : vector<8x128xi1>
    %not3A_399 = arith.constant dense<true> : vector<8x128xi1>
    %not3A_400 = arith.xori %gt3A_37, %not3A_399 : vector<8x128xi1>
    %and3A_401 = arith.andi %and3A_398, %not3A_400 : vector<8x128xi1>
    %not3A_402 = arith.constant dense<true> : vector<8x128xi1>
    %not3A_403 = arith.xori %gt3A_53, %not3A_402 : vector<8x128xi1>
    %and3A_404 = arith.andi %and3A_401, %not3A_403 : vector<8x128xi1>
    %not3A_405 = arith.constant dense<true> : vector<8x128xi1>
    %not3A_406 = arith.xori %gt3A_69, %not3A_405 : vector<8x128xi1>
    %and3A_407 = arith.andi %and3A_404, %not3A_406 : vector<8x128xi1>
    %not3A_408 = arith.constant dense<true> : vector<8x128xi1>
    %not3A_409 = arith.xori %gt3A_85, %not3A_408 : vector<8x128xi1>
    %and3A_410 = arith.andi %and3A_407, %not3A_409 : vector<8x128xi1>
    %not3A_411 = arith.constant dense<true> : vector<8x128xi1>
    %not3A_412 = arith.xori %gt3A_101, %not3A_411 : vector<8x128xi1>
    %and3A_413 = arith.andi %and3A_410, %not3A_412 : vector<8x128xi1>
    %sub3A_414 = arith.subf %select_n3A_124, %select_n3A_28 : vector<8x128xf32>
    %sub3A_415 = arith.constant 1.000000e-01 : f32
    %sub3A_416 = vector.broadcast %sub3A_415 : f32 to vector<8x128xf32>
    %sub3A_417 = arith.subf %sub3A_416, %sub3A_414 : vector<8x128xf32>
    %max3A_418 = arith.constant 0.000000e+00 : f32
    %max3A_419 = vector.broadcast %max3A_418 : f32 to vector<8x128xf32>
    %max3A_420 = arith.maximumf %sub3A_417, %max3A_419 : vector<8x128xf32>
    %jit3A_421 = arith.constant 0.000000e+00 : f32
    %broadcast_in_dim3A_422 = vector.broadcast %jit3A_421 : f32 to vector<8x128xf32>
    %select_n3A_423 = arith.select %and3A_413, %max3A_420, %broadcast_in_dim3A_422 : vector<8x128xi1>, vector<8x128xf32>
    %add3A_424 = arith.addf %add3A_394, %select_n3A_423 : vector<8x128xf32>
    %convert_element_type3A_425 = arith.extui %and3A_413 : vector<8x128xi1> to vector<8x128xi32>
    %convert_element_type3A_426 = arith.sitofp %convert_element_type3A_425 : vector<8x128xi32> to vector<8x128xf32>
    %add3A_427 = arith.addf %add3A_397, %convert_element_type3A_426 : vector<8x128xf32>
    %and3A_428 = arith.andi %gt3A_37, %gt3A_53 : vector<8x128xi1>
    %sub3A_429 = arith.subf %select_n3A_60, %select_n3A_44 : vector<8x128xf32>
    %sub3A_430 = arith.constant 1.000000e-01 : f32
    %sub3A_431 = vector.broadcast %sub3A_430 : f32 to vector<8x128xf32>
    %sub3A_432 = arith.subf %sub3A_431, %sub3A_429 : vector<8x128xf32>
    %max3A_433 = arith.constant 0.000000e+00 : f32
    %max3A_434 = vector.broadcast %max3A_433 : f32 to vector<8x128xf32>
    %max3A_435 = arith.maximumf %sub3A_432, %max3A_434 : vector<8x128xf32>
    %jit3A_436 = arith.constant 0.000000e+00 : f32
    %broadcast_in_dim3A_437 = vector.broadcast %jit3A_436 : f32 to vector<8x128xf32>
    %select_n3A_438 = arith.select %and3A_428, %max3A_435, %broadcast_in_dim3A_437 : vector<8x128xi1>, vector<8x128xf32>
    %add3A_439 = arith.addf %add3A_424, %select_n3A_438 : vector<8x128xf32>
    %convert_element_type3A_440 = arith.extui %and3A_428 : vector<8x128xi1> to vector<8x128xi32>
    %convert_element_type3A_441 = arith.sitofp %convert_element_type3A_440 : vector<8x128xi32> to vector<8x128xf32>
    %add3A_442 = arith.addf %add3A_427, %convert_element_type3A_441 : vector<8x128xf32>
    %and3A_443 = arith.andi %gt3A_37, %gt3A_69 : vector<8x128xi1>
    %not3A_444 = arith.constant dense<true> : vector<8x128xi1>
    %not3A_445 = arith.xori %gt3A_53, %not3A_444 : vector<8x128xi1>
    %and3A_446 = arith.andi %and3A_443, %not3A_445 : vector<8x128xi1>
    %sub3A_447 = arith.subf %select_n3A_76, %select_n3A_44 : vector<8x128xf32>
    %sub3A_448 = arith.constant 1.000000e-01 : f32
    %sub3A_449 = vector.broadcast %sub3A_448 : f32 to vector<8x128xf32>
    %sub3A_450 = arith.subf %sub3A_449, %sub3A_447 : vector<8x128xf32>
    %max3A_451 = arith.constant 0.000000e+00 : f32
    %max3A_452 = vector.broadcast %max3A_451 : f32 to vector<8x128xf32>
    %max3A_453 = arith.maximumf %sub3A_450, %max3A_452 : vector<8x128xf32>
    %jit3A_454 = arith.constant 0.000000e+00 : f32
    %broadcast_in_dim3A_455 = vector.broadcast %jit3A_454 : f32 to vector<8x128xf32>
    %select_n3A_456 = arith.select %and3A_446, %max3A_453, %broadcast_in_dim3A_455 : vector<8x128xi1>, vector<8x128xf32>
    %add3A_457 = arith.addf %add3A_439, %select_n3A_456 : vector<8x128xf32>
    %convert_element_type3A_458 = arith.extui %and3A_446 : vector<8x128xi1> to vector<8x128xi32>
    %convert_element_type3A_459 = arith.sitofp %convert_element_type3A_458 : vector<8x128xi32> to vector<8x128xf32>
    %add3A_460 = arith.addf %add3A_442, %convert_element_type3A_459 : vector<8x128xf32>
    %and3A_461 = arith.andi %gt3A_37, %gt3A_85 : vector<8x128xi1>
    %not3A_462 = arith.constant dense<true> : vector<8x128xi1>
    %not3A_463 = arith.xori %gt3A_53, %not3A_462 : vector<8x128xi1>
    %and3A_464 = arith.andi %and3A_461, %not3A_463 : vector<8x128xi1>
    %not3A_465 = arith.constant dense<true> : vector<8x128xi1>
    %not3A_466 = arith.xori %gt3A_69, %not3A_465 : vector<8x128xi1>
    %and3A_467 = arith.andi %and3A_464, %not3A_466 : vector<8x128xi1>
    %sub3A_468 = arith.subf %select_n3A_92, %select_n3A_44 : vector<8x128xf32>
    %sub3A_469 = arith.constant 1.000000e-01 : f32
    %sub3A_470 = vector.broadcast %sub3A_469 : f32 to vector<8x128xf32>
    %sub3A_471 = arith.subf %sub3A_470, %sub3A_468 : vector<8x128xf32>
    %max3A_472 = arith.constant 0.000000e+00 : f32
    %max3A_473 = vector.broadcast %max3A_472 : f32 to vector<8x128xf32>
    %max3A_474 = arith.maximumf %sub3A_471, %max3A_473 : vector<8x128xf32>
    %jit3A_475 = arith.constant 0.000000e+00 : f32
    %broadcast_in_dim3A_476 = vector.broadcast %jit3A_475 : f32 to vector<8x128xf32>
    %select_n3A_477 = arith.select %and3A_467, %max3A_474, %broadcast_in_dim3A_476 : vector<8x128xi1>, vector<8x128xf32>
    %add3A_478 = arith.addf %add3A_457, %select_n3A_477 : vector<8x128xf32>
    %convert_element_type3A_479 = arith.extui %and3A_467 : vector<8x128xi1> to vector<8x128xi32>
    %convert_element_type3A_480 = arith.sitofp %convert_element_type3A_479 : vector<8x128xi32> to vector<8x128xf32>
    %add3A_481 = arith.addf %add3A_460, %convert_element_type3A_480 : vector<8x128xf32>
    %and3A_482 = arith.andi %gt3A_37, %gt3A_101 : vector<8x128xi1>
    %not3A_483 = arith.constant dense<true> : vector<8x128xi1>
    %not3A_484 = arith.xori %gt3A_53, %not3A_483 : vector<8x128xi1>
    %and3A_485 = arith.andi %and3A_482, %not3A_484 : vector<8x128xi1>
    %not3A_486 = arith.constant dense<true> : vector<8x128xi1>
    %not3A_487 = arith.xori %gt3A_69, %not3A_486 : vector<8x128xi1>
    %and3A_488 = arith.andi %and3A_485, %not3A_487 : vector<8x128xi1>
    %not3A_489 = arith.constant dense<true> : vector<8x128xi1>
    %not3A_490 = arith.xori %gt3A_85, %not3A_489 : vector<8x128xi1>
    %and3A_491 = arith.andi %and3A_488, %not3A_490 : vector<8x128xi1>
    %sub3A_492 = arith.subf %select_n3A_108, %select_n3A_44 : vector<8x128xf32>
    %sub3A_493 = arith.constant 1.000000e-01 : f32
    %sub3A_494 = vector.broadcast %sub3A_493 : f32 to vector<8x128xf32>
    %sub3A_495 = arith.subf %sub3A_494, %sub3A_492 : vector<8x128xf32>
    %max3A_496 = arith.constant 0.000000e+00 : f32
    %max3A_497 = vector.broadcast %max3A_496 : f32 to vector<8x128xf32>
    %max3A_498 = arith.maximumf %sub3A_495, %max3A_497 : vector<8x128xf32>
    %jit3A_499 = arith.constant 0.000000e+00 : f32
    %broadcast_in_dim3A_500 = vector.broadcast %jit3A_499 : f32 to vector<8x128xf32>
    %select_n3A_501 = arith.select %and3A_491, %max3A_498, %broadcast_in_dim3A_500 : vector<8x128xi1>, vector<8x128xf32>
    %add3A_502 = arith.addf %add3A_478, %select_n3A_501 : vector<8x128xf32>
    %convert_element_type3A_503 = arith.extui %and3A_491 : vector<8x128xi1> to vector<8x128xi32>
    %convert_element_type3A_504 = arith.sitofp %convert_element_type3A_503 : vector<8x128xi32> to vector<8x128xf32>
    %add3A_505 = arith.addf %add3A_481, %convert_element_type3A_504 : vector<8x128xf32>
    %and3A_506 = arith.andi %gt3A_37, %gt3A_117 : vector<8x128xi1>
    %not3A_507 = arith.constant dense<true> : vector<8x128xi1>
    %not3A_508 = arith.xori %gt3A_53, %not3A_507 : vector<8x128xi1>
    %and3A_509 = arith.andi %and3A_506, %not3A_508 : vector<8x128xi1>
    %not3A_510 = arith.constant dense<true> : vector<8x128xi1>
    %not3A_511 = arith.xori %gt3A_69, %not3A_510 : vector<8x128xi1>
    %and3A_512 = arith.andi %and3A_509, %not3A_511 : vector<8x128xi1>
    %not3A_513 = arith.constant dense<true> : vector<8x128xi1>
    %not3A_514 = arith.xori %gt3A_85, %not3A_513 : vector<8x128xi1>
    %and3A_515 = arith.andi %and3A_512, %not3A_514 : vector<8x128xi1>
    %not3A_516 = arith.constant dense<true> : vector<8x128xi1>
    %not3A_517 = arith.xori %gt3A_101, %not3A_516 : vector<8x128xi1>
    %and3A_518 = arith.andi %and3A_515, %not3A_517 : vector<8x128xi1>
    %sub3A_519 = arith.subf %select_n3A_124, %select_n3A_44 : vector<8x128xf32>
    %sub3A_520 = arith.constant 1.000000e-01 : f32
    %sub3A_521 = vector.broadcast %sub3A_520 : f32 to vector<8x128xf32>
    %sub3A_522 = arith.subf %sub3A_521, %sub3A_519 : vector<8x128xf32>
    %max3A_523 = arith.constant 0.000000e+00 : f32
    %max3A_524 = vector.broadcast %max3A_523 : f32 to vector<8x128xf32>
    %max3A_525 = arith.maximumf %sub3A_522, %max3A_524 : vector<8x128xf32>
    %jit3A_526 = arith.constant 0.000000e+00 : f32
    %broadcast_in_dim3A_527 = vector.broadcast %jit3A_526 : f32 to vector<8x128xf32>
    %select_n3A_528 = arith.select %and3A_518, %max3A_525, %broadcast_in_dim3A_527 : vector<8x128xi1>, vector<8x128xf32>
    %add3A_529 = arith.addf %add3A_502, %select_n3A_528 : vector<8x128xf32>
    %convert_element_type3A_530 = arith.extui %and3A_518 : vector<8x128xi1> to vector<8x128xi32>
    %convert_element_type3A_531 = arith.sitofp %convert_element_type3A_530 : vector<8x128xi32> to vector<8x128xf32>
    %add3A_532 = arith.addf %add3A_505, %convert_element_type3A_531 : vector<8x128xf32>
    %and3A_533 = arith.andi %gt3A_53, %gt3A_69 : vector<8x128xi1>
    %sub3A_534 = arith.subf %select_n3A_76, %select_n3A_60 : vector<8x128xf32>
    %sub3A_535 = arith.constant 1.000000e-01 : f32
    %sub3A_536 = vector.broadcast %sub3A_535 : f32 to vector<8x128xf32>
    %sub3A_537 = arith.subf %sub3A_536, %sub3A_534 : vector<8x128xf32>
    %max3A_538 = arith.constant 0.000000e+00 : f32
    %max3A_539 = vector.broadcast %max3A_538 : f32 to vector<8x128xf32>
    %max3A_540 = arith.maximumf %sub3A_537, %max3A_539 : vector<8x128xf32>
    %jit3A_541 = arith.constant 0.000000e+00 : f32
    %broadcast_in_dim3A_542 = vector.broadcast %jit3A_541 : f32 to vector<8x128xf32>
    %select_n3A_543 = arith.select %and3A_533, %max3A_540, %broadcast_in_dim3A_542 : vector<8x128xi1>, vector<8x128xf32>
    %add3A_544 = arith.addf %add3A_529, %select_n3A_543 : vector<8x128xf32>
    %convert_element_type3A_545 = arith.extui %and3A_533 : vector<8x128xi1> to vector<8x128xi32>
    %convert_element_type3A_546 = arith.sitofp %convert_element_type3A_545 : vector<8x128xi32> to vector<8x128xf32>
    %add3A_547 = arith.addf %add3A_532, %convert_element_type3A_546 : vector<8x128xf32>
    %and3A_548 = arith.andi %gt3A_53, %gt3A_85 : vector<8x128xi1>
    %not3A_549 = arith.constant dense<true> : vector<8x128xi1>
    %not3A_550 = arith.xori %gt3A_69, %not3A_549 : vector<8x128xi1>
    %and3A_551 = arith.andi %and3A_548, %not3A_550 : vector<8x128xi1>
    %sub3A_552 = arith.subf %select_n3A_92, %select_n3A_60 : vector<8x128xf32>
    %sub3A_553 = arith.constant 1.000000e-01 : f32
    %sub3A_554 = vector.broadcast %sub3A_553 : f32 to vector<8x128xf32>
    %sub3A_555 = arith.subf %sub3A_554, %sub3A_552 : vector<8x128xf32>
    %max3A_556 = arith.constant 0.000000e+00 : f32
    %max3A_557 = vector.broadcast %max3A_556 : f32 to vector<8x128xf32>
    %max3A_558 = arith.maximumf %sub3A_555, %max3A_557 : vector<8x128xf32>
    %jit3A_559 = arith.constant 0.000000e+00 : f32
    %broadcast_in_dim3A_560 = vector.broadcast %jit3A_559 : f32 to vector<8x128xf32>
    %select_n3A_561 = arith.select %and3A_551, %max3A_558, %broadcast_in_dim3A_560 : vector<8x128xi1>, vector<8x128xf32>
    %add3A_562 = arith.addf %add3A_544, %select_n3A_561 : vector<8x128xf32>
    %convert_element_type3A_563 = arith.extui %and3A_551 : vector<8x128xi1> to vector<8x128xi32>
    %convert_element_type3A_564 = arith.sitofp %convert_element_type3A_563 : vector<8x128xi32> to vector<8x128xf32>
    %add3A_565 = arith.addf %add3A_547, %convert_element_type3A_564 : vector<8x128xf32>
    %and3A_566 = arith.andi %gt3A_53, %gt3A_101 : vector<8x128xi1>
    %not3A_567 = arith.constant dense<true> : vector<8x128xi1>
    %not3A_568 = arith.xori %gt3A_69, %not3A_567 : vector<8x128xi1>
    %and3A_569 = arith.andi %and3A_566, %not3A_568 : vector<8x128xi1>
    %not3A_570 = arith.constant dense<true> : vector<8x128xi1>
    %not3A_571 = arith.xori %gt3A_85, %not3A_570 : vector<8x128xi1>
    %and3A_572 = arith.andi %and3A_569, %not3A_571 : vector<8x128xi1>
    %sub3A_573 = arith.subf %select_n3A_108, %select_n3A_60 : vector<8x128xf32>
    %sub3A_574 = arith.constant 1.000000e-01 : f32
    %sub3A_575 = vector.broadcast %sub3A_574 : f32 to vector<8x128xf32>
    %sub3A_576 = arith.subf %sub3A_575, %sub3A_573 : vector<8x128xf32>
    %max3A_577 = arith.constant 0.000000e+00 : f32
    %max3A_578 = vector.broadcast %max3A_577 : f32 to vector<8x128xf32>
    %max3A_579 = arith.maximumf %sub3A_576, %max3A_578 : vector<8x128xf32>
    %jit3A_580 = arith.constant 0.000000e+00 : f32
    %broadcast_in_dim3A_581 = vector.broadcast %jit3A_580 : f32 to vector<8x128xf32>
    %select_n3A_582 = arith.select %and3A_572, %max3A_579, %broadcast_in_dim3A_581 : vector<8x128xi1>, vector<8x128xf32>
    %add3A_583 = arith.addf %add3A_562, %select_n3A_582 : vector<8x128xf32>
    %convert_element_type3A_584 = arith.extui %and3A_572 : vector<8x128xi1> to vector<8x128xi32>
    %convert_element_type3A_585 = arith.sitofp %convert_element_type3A_584 : vector<8x128xi32> to vector<8x128xf32>
    %add3A_586 = arith.addf %add3A_565, %convert_element_type3A_585 : vector<8x128xf32>
    %and3A_587 = arith.andi %gt3A_53, %gt3A_117 : vector<8x128xi1>
    %not3A_588 = arith.constant dense<true> : vector<8x128xi1>
    %not3A_589 = arith.xori %gt3A_69, %not3A_588 : vector<8x128xi1>
    %and3A_590 = arith.andi %and3A_587, %not3A_589 : vector<8x128xi1>
    %not3A_591 = arith.constant dense<true> : vector<8x128xi1>
    %not3A_592 = arith.xori %gt3A_85, %not3A_591 : vector<8x128xi1>
    %and3A_593 = arith.andi %and3A_590, %not3A_592 : vector<8x128xi1>
    %not3A_594 = arith.constant dense<true> : vector<8x128xi1>
    %not3A_595 = arith.xori %gt3A_101, %not3A_594 : vector<8x128xi1>
    %and3A_596 = arith.andi %and3A_593, %not3A_595 : vector<8x128xi1>
    %sub3A_597 = arith.subf %select_n3A_124, %select_n3A_60 : vector<8x128xf32>
    %sub3A_598 = arith.constant 1.000000e-01 : f32
    %sub3A_599 = vector.broadcast %sub3A_598 : f32 to vector<8x128xf32>
    %sub3A_600 = arith.subf %sub3A_599, %sub3A_597 : vector<8x128xf32>
    %max3A_601 = arith.constant 0.000000e+00 : f32
    %max3A_602 = vector.broadcast %max3A_601 : f32 to vector<8x128xf32>
    %max3A_603 = arith.maximumf %sub3A_600, %max3A_602 : vector<8x128xf32>
    %jit3A_604 = arith.constant 0.000000e+00 : f32
    %broadcast_in_dim3A_605 = vector.broadcast %jit3A_604 : f32 to vector<8x128xf32>
    %select_n3A_606 = arith.select %and3A_596, %max3A_603, %broadcast_in_dim3A_605 : vector<8x128xi1>, vector<8x128xf32>
    %add3A_607 = arith.addf %add3A_583, %select_n3A_606 : vector<8x128xf32>
    %convert_element_type3A_608 = arith.extui %and3A_596 : vector<8x128xi1> to vector<8x128xi32>
    %convert_element_type3A_609 = arith.sitofp %convert_element_type3A_608 : vector<8x128xi32> to vector<8x128xf32>
    %add3A_610 = arith.addf %add3A_586, %convert_element_type3A_609 : vector<8x128xf32>
    %and3A_611 = arith.andi %gt3A_69, %gt3A_85 : vector<8x128xi1>
    %sub3A_612 = arith.subf %select_n3A_92, %select_n3A_76 : vector<8x128xf32>
    %sub3A_613 = arith.constant 1.000000e-01 : f32
    %sub3A_614 = vector.broadcast %sub3A_613 : f32 to vector<8x128xf32>
    %sub3A_615 = arith.subf %sub3A_614, %sub3A_612 : vector<8x128xf32>
    %max3A_616 = arith.constant 0.000000e+00 : f32
    %max3A_617 = vector.broadcast %max3A_616 : f32 to vector<8x128xf32>
    %max3A_618 = arith.maximumf %sub3A_615, %max3A_617 : vector<8x128xf32>
    %jit3A_619 = arith.constant 0.000000e+00 : f32
    %broadcast_in_dim3A_620 = vector.broadcast %jit3A_619 : f32 to vector<8x128xf32>
    %select_n3A_621 = arith.select %and3A_611, %max3A_618, %broadcast_in_dim3A_620 : vector<8x128xi1>, vector<8x128xf32>
    %add3A_622 = arith.addf %add3A_607, %select_n3A_621 : vector<8x128xf32>
    %convert_element_type3A_623 = arith.extui %and3A_611 : vector<8x128xi1> to vector<8x128xi32>
    %convert_element_type3A_624 = arith.sitofp %convert_element_type3A_623 : vector<8x128xi32> to vector<8x128xf32>
    %add3A_625 = arith.addf %add3A_610, %convert_element_type3A_624 : vector<8x128xf32>
    %and3A_626 = arith.andi %gt3A_69, %gt3A_101 : vector<8x128xi1>
    %not3A_627 = arith.constant dense<true> : vector<8x128xi1>
    %not3A_628 = arith.xori %gt3A_85, %not3A_627 : vector<8x128xi1>
    %and3A_629 = arith.andi %and3A_626, %not3A_628 : vector<8x128xi1>
    %sub3A_630 = arith.subf %select_n3A_108, %select_n3A_76 : vector<8x128xf32>
    %sub3A_631 = arith.constant 1.000000e-01 : f32
    %sub3A_632 = vector.broadcast %sub3A_631 : f32 to vector<8x128xf32>
    %sub3A_633 = arith.subf %sub3A_632, %sub3A_630 : vector<8x128xf32>
    %max3A_634 = arith.constant 0.000000e+00 : f32
    %max3A_635 = vector.broadcast %max3A_634 : f32 to vector<8x128xf32>
    %max3A_636 = arith.maximumf %sub3A_633, %max3A_635 : vector<8x128xf32>
    %jit3A_637 = arith.constant 0.000000e+00 : f32
    %broadcast_in_dim3A_638 = vector.broadcast %jit3A_637 : f32 to vector<8x128xf32>
    %select_n3A_639 = arith.select %and3A_629, %max3A_636, %broadcast_in_dim3A_638 : vector<8x128xi1>, vector<8x128xf32>
    %add3A_640 = arith.addf %add3A_622, %select_n3A_639 : vector<8x128xf32>
    %convert_element_type3A_641 = arith.extui %and3A_629 : vector<8x128xi1> to vector<8x128xi32>
    %convert_element_type3A_642 = arith.sitofp %convert_element_type3A_641 : vector<8x128xi32> to vector<8x128xf32>
    %add3A_643 = arith.addf %add3A_625, %convert_element_type3A_642 : vector<8x128xf32>
    %and3A_644 = arith.andi %gt3A_69, %gt3A_117 : vector<8x128xi1>
    %not3A_645 = arith.constant dense<true> : vector<8x128xi1>
    %not3A_646 = arith.xori %gt3A_85, %not3A_645 : vector<8x128xi1>
    %and3A_647 = arith.andi %and3A_644, %not3A_646 : vector<8x128xi1>
    %not3A_648 = arith.constant dense<true> : vector<8x128xi1>
    %not3A_649 = arith.xori %gt3A_101, %not3A_648 : vector<8x128xi1>
    %and3A_650 = arith.andi %and3A_647, %not3A_649 : vector<8x128xi1>
    %sub3A_651 = arith.subf %select_n3A_124, %select_n3A_76 : vector<8x128xf32>
    %sub3A_652 = arith.constant 1.000000e-01 : f32
    %sub3A_653 = vector.broadcast %sub3A_652 : f32 to vector<8x128xf32>
    %sub3A_654 = arith.subf %sub3A_653, %sub3A_651 : vector<8x128xf32>
    %max3A_655 = arith.constant 0.000000e+00 : f32
    %max3A_656 = vector.broadcast %max3A_655 : f32 to vector<8x128xf32>
    %max3A_657 = arith.maximumf %sub3A_654, %max3A_656 : vector<8x128xf32>
    %jit3A_658 = arith.constant 0.000000e+00 : f32
    %broadcast_in_dim3A_659 = vector.broadcast %jit3A_658 : f32 to vector<8x128xf32>
    %select_n3A_660 = arith.select %and3A_650, %max3A_657, %broadcast_in_dim3A_659 : vector<8x128xi1>, vector<8x128xf32>
    %add3A_661 = arith.addf %add3A_640, %select_n3A_660 : vector<8x128xf32>
    %convert_element_type3A_662 = arith.extui %and3A_650 : vector<8x128xi1> to vector<8x128xi32>
    %convert_element_type3A_663 = arith.sitofp %convert_element_type3A_662 : vector<8x128xi32> to vector<8x128xf32>
    %add3A_664 = arith.addf %add3A_643, %convert_element_type3A_663 : vector<8x128xf32>
    %and3A_665 = arith.andi %gt3A_85, %gt3A_101 : vector<8x128xi1>
    %sub3A_666 = arith.subf %select_n3A_108, %select_n3A_92 : vector<8x128xf32>
    %sub3A_667 = arith.constant 1.000000e-01 : f32
    %sub3A_668 = vector.broadcast %sub3A_667 : f32 to vector<8x128xf32>
    %sub3A_669 = arith.subf %sub3A_668, %sub3A_666 : vector<8x128xf32>
    %max3A_670 = arith.constant 0.000000e+00 : f32
    %max3A_671 = vector.broadcast %max3A_670 : f32 to vector<8x128xf32>
    %max3A_672 = arith.maximumf %sub3A_669, %max3A_671 : vector<8x128xf32>
    %jit3A_673 = arith.constant 0.000000e+00 : f32
    %broadcast_in_dim3A_674 = vector.broadcast %jit3A_673 : f32 to vector<8x128xf32>
    %select_n3A_675 = arith.select %and3A_665, %max3A_672, %broadcast_in_dim3A_674 : vector<8x128xi1>, vector<8x128xf32>
    %add3A_676 = arith.addf %add3A_661, %select_n3A_675 : vector<8x128xf32>
    %convert_element_type3A_677 = arith.extui %and3A_665 : vector<8x128xi1> to vector<8x128xi32>
    %convert_element_type3A_678 = arith.sitofp %convert_element_type3A_677 : vector<8x128xi32> to vector<8x128xf32>
    %add3A_679 = arith.addf %add3A_664, %convert_element_type3A_678 : vector<8x128xf32>
    %and3A_680 = arith.andi %gt3A_85, %gt3A_117 : vector<8x128xi1>
    %not3A_681 = arith.constant dense<true> : vector<8x128xi1>
    %not3A_682 = arith.xori %gt3A_101, %not3A_681 : vector<8x128xi1>
    %and3A_683 = arith.andi %and3A_680, %not3A_682 : vector<8x128xi1>
    %sub3A_684 = arith.subf %select_n3A_124, %select_n3A_92 : vector<8x128xf32>
    %sub3A_685 = arith.constant 1.000000e-01 : f32
    %sub3A_686 = vector.broadcast %sub3A_685 : f32 to vector<8x128xf32>
    %sub3A_687 = arith.subf %sub3A_686, %sub3A_684 : vector<8x128xf32>
    %max3A_688 = arith.constant 0.000000e+00 : f32
    %max3A_689 = vector.broadcast %max3A_688 : f32 to vector<8x128xf32>
    %max3A_690 = arith.maximumf %sub3A_687, %max3A_689 : vector<8x128xf32>
    %jit3A_691 = arith.constant 0.000000e+00 : f32
    %broadcast_in_dim3A_692 = vector.broadcast %jit3A_691 : f32 to vector<8x128xf32>
    %select_n3A_693 = arith.select %and3A_683, %max3A_690, %broadcast_in_dim3A_692 : vector<8x128xi1>, vector<8x128xf32>
    %add3A_694 = arith.addf %add3A_676, %select_n3A_693 : vector<8x128xf32>
    %convert_element_type3A_695 = arith.extui %and3A_683 : vector<8x128xi1> to vector<8x128xi32>
    %convert_element_type3A_696 = arith.sitofp %convert_element_type3A_695 : vector<8x128xi32> to vector<8x128xf32>
    %add3A_697 = arith.addf %add3A_679, %convert_element_type3A_696 : vector<8x128xf32>
    %and3A_698 = arith.andi %gt3A_101, %gt3A_117 : vector<8x128xi1>
    %sub3A_699 = arith.subf %select_n3A_124, %select_n3A_108 : vector<8x128xf32>
    %sub3A_700 = arith.constant 1.000000e-01 : f32
    %sub3A_701 = vector.broadcast %sub3A_700 : f32 to vector<8x128xf32>
    %sub3A_702 = arith.subf %sub3A_701, %sub3A_699 : vector<8x128xf32>
    %max3A_703 = arith.constant 0.000000e+00 : f32
    %max3A_704 = vector.broadcast %max3A_703 : f32 to vector<8x128xf32>
    %max3A_705 = arith.maximumf %sub3A_702, %max3A_704 : vector<8x128xf32>
    %jit3A_706 = arith.constant 0.000000e+00 : f32
    %broadcast_in_dim3A_707 = vector.broadcast %jit3A_706 : f32 to vector<8x128xf32>
    %select_n3A_708 = arith.select %and3A_698, %max3A_705, %broadcast_in_dim3A_707 : vector<8x128xi1>, vector<8x128xf32>
    %add3A_709 = arith.addf %add3A_694, %select_n3A_708 : vector<8x128xf32>
    %convert_element_type3A_710 = arith.extui %and3A_698 : vector<8x128xi1> to vector<8x128xi32>
    %convert_element_type3A_711 = arith.sitofp %convert_element_type3A_710 : vector<8x128xi32> to vector<8x128xf32>
    %add3A_712 = arith.addf %add3A_697, %convert_element_type3A_711 : vector<8x128xf32>
    %reduce_sum3A = vector.shape_cast %add3A_709 : vector<8x128xf32> to vector<1x8x128xf32>
    %reduce_sum3A_713 = arith.constant dense<0.000000e+00> : vector<1xf32>
    %reduce_sum3A_714 = vector.multi_reduction <add>, %reduce_sum3A, %reduce_sum3A_713 [1, 2] : vector<1x8x128xf32> to vector<1xf32>
    %reduce_sum3A_715 = vector.shape_cast %reduce_sum3A_714 : vector<1xf32> to vector<1x1x1xf32>
    %reduce_sum3A_716 = vector.extract %reduce_sum3A_715[0, 0, 0] : f32 from vector<1x1x1xf32>
    %reduce_sum3A_717 = vector.shape_cast %add3A_712 : vector<8x128xf32> to vector<1x8x128xf32>
    %reduce_sum3A_718 = arith.constant dense<0.000000e+00> : vector<1xf32>
    %reduce_sum3A_719 = vector.multi_reduction <add>, %reduce_sum3A_717, %reduce_sum3A_718 [1, 2] : vector<1x8x128xf32> to vector<1xf32>
    %reduce_sum3A_720 = vector.shape_cast %reduce_sum3A_719 : vector<1xf32> to vector<1x1x1xf32>
    %reduce_sum3A_721 = vector.extract %reduce_sum3A_720[0, 0, 0] : f32 from vector<1x1x1xf32>
    %gt3A_722 = arith.constant 0.000000e+00 : f32
    %gt3A_723 = arith.cmpf ogt, %reduce_sum3A_721, %gt3A_722 : f32
    %max3A_724 = arith.constant 1.000000e+00 : f32
    %max3A_725 = arith.maximumf %reduce_sum3A_721, %max3A_724 : f32
    %div3A_726 = arith.divf %reduce_sum3A_716, %max3A_725 : f32
    %jit3A_727 = arith.constant 0.000000e+00 : f32
    %select_n3A_728 = arith.select %gt3A_723, %div3A_726, %jit3A_727 : f32
    %broadcast_in_dim3A_729 = vector.broadcast %select_n3A_728 : f32 to vector<1x1xf32>
    %swap3A = arith.constant 0 : index
    %swap3A_730 = arith.constant 0 : index
    %swap3A_731 = vector.load %arg2[%swap3A, %swap3A_730] : memref<1x1xf32, #tpu.memory_space<vmem>>, vector<1x1xf32>
    tpu.vector_store %arg2[%swap3A, %swap3A_730], %broadcast_in_dim3A_729 {strides = array<i32>} : memref<1x1xf32, #tpu.memory_space<vmem>>, vector<1x1xf32>,
    return
  }
}

</mosaic_0001>

<sc_bundles>
// kernel: kernel.5.cloned.1.call-start
scs
__scs_entry_jumppad:
0x0: {  	(pc) =	sbr.rel $0x88, $3  }
0x1: {  	(tag) =	ssettag $0x0;
	lr =	simm.s32 $0x1  }
0x2: {  	[smem:$0x3F9E] =	sst lr;
	_ =	strace $0xD0000000  }
0x3: {  	_ = 	snop  }
0x4: {  	_ = 	snop  }
0x5: {  	_ = 	snop  }
0x6: {  	_ = 	snop  }
0x7: {  	_ = 	snop  }
__scs_overlays_trampoline_lowered:
0x8: {  	[smem:$0x3FAD] =	sst s0  }
0x9: {  	[smem:$0x3FAE] =	sst s1  }
0xa: {  	[smem:$0x3FAF] =	sst s2  }
0xb: {  	[smem:$0x3FB0] =	sst s3  }
0xc: {  	[smem:$0x3FB1] =	sst s4  }
0xd: {  	[smem:$0x3FB2] =	sst s5  }
0xe: {  	[smem:$0x3FB3] =	sst s6  }
0xf: {  	[smem:$0x3FB4] =	sst s7  }
0x10: {  	[smem:$0x3FB5] =	sst s8  }
0x11: {  	[smem:$0x3FB6] =	sst s9;
	s0 =	simm.s32 @!p0 $0x0  }
0x12: {  	s1 =	sld [smem:$0x3F9C];
	s0 =	simm.s32 @p0 $0x1  }
0x13: {  	[smem:$0x3FB7] =	sst s0;
	s0 =	simm.s32 @!p1 $0x0  }
0x14: {  	s2 =	sld [smem:$0x3F9B];
	s0 =	simm.s32 @p1 $0x1  }
0x15: {  	[smem:$0x3FB8] =	sst s0;
	s0 =	simm.s32 @!p2 $0x0  }
0x16: {  	s3 =	sld [smem:$0x3FDB];
	s0 =	simm.s32 @p2 $0x1  }
0x17: {  	s4 =	simm.s32 $0x1BF5;
	[smem:$0x3FBA] =	sst s0  }
0x18: {  	s0 =	sld [smem:$0x3F9D];
	_ =	swait.ge [sflag:s4], $0x0  }
0x19: {  	s7 =	sld [smem:$0x3F9E]  }
0x1a: {  	s8 =	sadd.s32 $0xFFFFE003, lr  }
0x1b: {  	s9 =	sadd.s32 $0xFFFFFEF7, lr;
	s5 =	simm.s32 $0xFFFFFFFF;
	p2 =	slt.u32 s8, $0xFFFFF086  }
0x1c: {  	p1 =	slt.u32 s9, $0xF7A;
	s5 =	simm.s32 @!p2 $0x0  }
0x1d: {  	s5 =	simm.s32 @p1 $0x1;
	p0 =	seq.s32 s7, s2  }
0x1e: {  	s7 =	smul.u32 @!p0 $0xF7A, s2;
	p2 =	seq.s32 @!p0 s5, $0x0  }
0x1f: {  	s9 =	smul.u32 $0xF7A, s1;
	s8 =	simm.s32 @!p0 $0x1BF5;
	p2 =	por !p2, p0  }
0x20: {  	[sflag:s8] =	ssyncset.s32 @!p0 $0xFFFFF086;
	s6 =	sadd.s32 @!p0 s3, s7;
	s7 =	simm.s32 @!p0 $0x108  }
0x21: {  	s3 =	sadd.s32 s3, s9;
	s6 =	sadd.s32 @!p0 $0x88, s6;
	s7 =	simm.s32 @p2 $0x1082  }
0x22: {  	[simem:s7], [sflag:s8] =	dma.local @!p0 [hbm:s6], $0xF7A  }
0x23: {  	s9 =	sor.u32 $0xD0000000, s2;
	s6 =	simm.s32 $0x108;
	_ =	swait.ge @!p0 [sflag:s8], $0x0  }
0x24: {  	s3 =	sadd.s32 $0x88, s3;
	s6 =	simm.s32 @!p1 $0x1082;
	[sflag:s4] =	ssyncset.s32 $0xFFFFF086  }
0x25: {  	[simem:s6], [sflag:s4] =	dma.local [hbm:s3], $0xF7A  }
0x26: {  	[smem:$0x3F9E] =	sst s1;
	(tag) =	ssettag s2;
	_ =	strace s9  }
0x27: {  	s1 =	sld [smem:$0x3FAE]  }
0x28: {  	s2 =	sld [smem:$0x3FAF]  }
0x29: {  	s4 =	sld [smem:$0x3FB1]  }
0x2a: {  	p0 =	seq.s32 s5, $0x0;
	s5 =	sld [smem:$0x3FB2]  }
0x2b: {  	s6 =	sld [smem:$0x3FB3]  }
0x2c: {  	s7 =	sld [smem:$0x3FB4]  }
0x2d: {  	s3 =	simm.s32 $0x108;
	s8 =	sld [smem:$0x3FB5]  }
0x2e: {  	s3 =	simm.s32 @!p0 $0x1082;
	s9 =	sld [smem:$0x3FB6]  }
0x2f: {  	lr =	sadd.s32 s0, s3;
	s0 =	sld [smem:$0x3FAD]  }
0x30: {  	s3 =	sld [smem:$0x3FB0]  }
0x31: {  	[smem:$0x3FB9] =	sst s10  }
0x32: {  	s10 =	sld [smem:$0x3FB7];
	_ =	sdelay $0x3  }
0x33: {  	p0 =	seq.s32 s10, $0x1;
	s10 =	sld [smem:$0x3FB9];
	_ =	sdelay $0x3  }
0x34: {  	[smem:$0x3FB9] =	sst s10  }
0x35: {  	s10 =	sld [smem:$0x3FB8];
	_ =	sdelay $0x3  }
0x36: {  	p1 =	seq.s32 s10, $0x1;
	s10 =	sld [smem:$0x3FB9];
	_ =	sdelay $0x3  }
0x37: {  	[smem:$0x3FB9] =	sst s10  }
0x38: {  	s10 =	sld [smem:$0x3FBA]  }
0x39: {  	_ = 	snop;
	(pc) =	sbr.ind lr, $3  }
0x3a: {  	_ = 	snop  }
0x3b: {  	_ = 	snop  }
0x3c: {  	p2 =	seq.s32 s10, $0x1;
	s10 =	sld [smem:$0x3FB9]  }
0x3d: {  	_ =	shalt  }
0x3e: {  	_ =	shalt  }
0x3f: {  	_ =	shalt  }
0x40: {  	_ =	shalt  }
0x41: {  	_ =	shalt  }
0x42: {  	_ =	shalt  }
0x43: {  	_ =	shalt  }
0x44: {  	_ =	shalt  }
0x45: {  	_ =	shalt  }
0x46: {  	_ =	shalt  }
0x47: {  	_ =	shalt  }
0x48: {  	_ =	shalt  }
0x49: {  	_ =	shalt  }
0x4a: {  	_ =	shalt  }
0x4b: {  	_ =	shalt  }
0x4c: {  	_ =	shalt  }
0x4d: {  	_ =	shalt  }
0x4e: {  	_ =	shalt  }
0x4f: {  	_ =	shalt  }
0x50: {  	_ =	shalt  }
0x51: {  	_ =	shalt  }
0x52: {  	_ =	shalt  }
0x53: {  	_ =	shalt  }
0x54: {  	_ =	shalt  }
0x55: {  	_ =	shalt  }
0x56: {  	_ =	shalt  }
0x57: {  	_ =	shalt  }
0x58: {  	_ =	shalt  }
0x59: {  	_ =	shalt  }
0x5a: {  	_ =	shalt  }
0x5b: {  	_ =	shalt  }
0x5c: {  	_ =	shalt  }
0x5d: {  	_ =	shalt  }
0x5e: {  	_ =	shalt  }
0x5f: {  	_ =	shalt  }
0x60: {  	_ =	shalt  }
0x61: {  	_ =	shalt  }
0x62: {  	_ =	shalt  }
0x63: {  	_ =	shalt  }
0x64: {  	_ =	shalt  }
0x65: {  	_ =	shalt  }
0x66: {  	_ =	shalt  }
0x67: {  	_ =	shalt  }
0x68: {  	_ =	shalt  }
0x69: {  	_ =	shalt  }
0x6a: {  	_ =	shalt  }
0x6b: {  	_ =	shalt  }
0x6c: {  	_ =	shalt  }
0x6d: {  	_ =	shalt  }
0x6e: {  	_ =	shalt  }
0x6f: {  	_ =	shalt  }
0x70: {  	_ =	shalt  }
0x71: {  	_ =	shalt  }
0x72: {  	_ =	shalt  }
0x73: {  	_ =	shalt  }
0x74: {  	_ =	shalt  }
0x75: {  	_ =	shalt  }
0x76: {  	_ =	shalt  }
0x77: {  	_ =	shalt  }
0x78: {  	_ =	shalt  }
0x79: {  	_ =	shalt  }
0x7a: {  	_ =	shalt  }
0x7b: {  	_ =	shalt  }
0x7c: {  	_ =	shalt  }
0x7d: {  	_ =	shalt  }
0x7e: {  	_ =	shalt  }
0x7f: {  	_ =	shalt  }
0x80: {  	_ =	shalt  }
0x81: {  	_ =	shalt  }
0x82: {  	_ =	shalt  }
0x83: {  	_ =	shalt  }
0x84: {  	_ =	shalt  }
0x85: {  	_ =	shalt  }
0x86: {  	_ =	shalt  }
0x87: {  	_ =	shalt  }
.Lfunc_end0:
.L_simem_size_0:
called_computation_lowered:
.L_overlay_start_0:
0x88: {  	s2 =	sld [smem:$0x3FD9]  }
0x89: {  	s3 =	sld [smem:$0x3FFE];
	_ =	sdelay $0x1  }
0x8a: {  	s1 =	srdreg.scid  }
0x8b: {  	s0 =	sand.u32 $0x1, s1  }
0x8c: {  	s16 =	sshll.u32 s0, $0xA;
	s2 =	sadd.s32 s3, s2  }
0x8d: {  	s2 =	sadd.s32 s2, s16  }
0x8e: {  	[smem:$0x3FC5] =	sst s2  }
0x8f: {  	_ = 	snop  }
0x90: {  	(tm) =	ssettm $0x1  }
0x91: {  	s17 =	sld [smem:$0x3FFB];
	_ =	sdelay $0x3  }
0x92: {  	_ =	strace s17  }
0x93: {  	s2 =	sld [smem:$0x3FFC];
	_ =	sdelay $0x3  }
0x94: {  	_ =	strace s2  }
0x95: {  	s2 =	sld [smem:$0x3FFD];
	_ =	sdelay $0x3  }
0x96: {  	_ =	strace s2  }
0x97: {  	_ =	strace $0x8FFFFFFF  }
0x98: {  	s18 =	sld [smem:$0x3FDB];
	_ =	sdelay $0x1  }
0x99: {  	s19 =	simm.s32 $_scs_section_size  }
0x9a: {  	s4 =	simm.s32 $_size__tile_overlayer_lowered;
	s5 =	simm.s32 $_tile_overlayer_lowered  }
0x9b: {  	s22 =	simm.s32 $0x1BFF;
	s21 =	sshll.u32 s5, $0x1;
	s2 =	sadd.s32 s19, s18  }
0x9c: {  	s6 =	simm.s32 $0x0;
	s20 =	sshll.u32 s4, $0x1;
	s4 =	sadd.s32 s21, s2  }
0x9d: {  	[timem:s6], [sflag:s22] =	dma.local [hbm:s4], s20  }
0x9e: {  	_ =	swait.ge [sflag:s22], s20  }
0x9f: {  	s3 =	ssub.s32 $0x0, s20;
	[sflag:s22] =	ssyncset.done $0x0  }
0xa0: {  	[sflag:s22] =	ssyncadd.s32 s3;
	_ =	sdelay $0x1  }
0xa1: {  	s23 =	simm.s32 $0x1B8B  }
0xa2: {  	_ =	swait.ge [sflag:s23], $0x1  }
0xa3: {  	[sflag:s23] =	ssyncset.done $0x0  }
0xa4: {  	s25 =	simm.s32 $0x1B8E;
	s24 =	sld [smem:$0x3FFE];
	[sflag:s23] =	ssyncadd.s32 $0xFFFFFFFF  }
0xa5: {  	s26 =	simm.s32 $execute0_lowered;
	[smem:$0x3FD2] =	sst s25  }
0xa6: {  	s4 =	sshll.u32 s26, $0x1;
	_ =	strace $0x80000046;
	[dreg:$0x1] =	wrdreg $0xFFFFFFFF  }
0xa7: {  	s28 =	simm.s32 $_size_execute0_lowered;
	s2 =	sadd.s32 s2, s4;
	[dreg:$0x0] =	wrdreg $0x0  }
0xa8: {  	s4 =	sshll.u32 s28, $0x1;
	[dreg:$0x2] =	wrdreg s2  }
0xa9: {  	[dreg:$0x3] =	wrdreg s4  }
0xaa: {  	[dreg:$0x4] =	wrdreg $0xC0  }
0xab: {  	_ =	task [dreg:s6], $0x5FFFF  }
0xac: {  	[dreg:$0x1] =	wrdreg $0xFFFFFFFF  }
0xad: {  	[dreg:$0x0] =	wrdreg $0x60  }
0xae: {  	[dreg:$0x2] =	wrdreg s24  }
0xaf: {  	[dreg:$0x3] =	wrdreg $0x8800  }
0xb0: {  	[dreg:$0x4] =	wrdreg $0xA800  }
0xb1: {  	[dreg:$0x5] =	wrdreg $0x9  }
0xb2: {  	_ =	task.clear_ibuf [dreg:s6], $0x6FFFF;
	_ =	strace $0x90000046  }
0xb3: {  	s29 =	simm.s32 $0x9;
	_ =	strace $0x80000048  }
0xb4: {  	_ =	swait.ge [sflag:s29], $0x1  }
0xb5: {  	[sflag:s29] =	ssyncadd.s32 $0xFFFFFFFF  }
0xb6: {  	_ =	strace $0x90000048  }
0xb7: {  	_ =	sfence  }
0xb8: {  	s30 =	sld [smem:$0x0];
	_ =	sdelay $0x2  }
0xb9: {  	s31 =	sshll.u32 s1, $0xD;
	s1 =	sshrl.u32 s1, $0x2  }
0xba: {  	s3 =	sand.u32 $0x4000, s31;
	s1 =	sadd.s32 s1, s30  }
0xbb: {  	s0 =	sor.u32 s3, s0;
	s1 =	sshll.u32 s1, $0x11  }
0xbc: {  	s0 =	sor.u32 s1, s0  }
0xbd: {  	s0 =	sadd.s32 $0x8F2B, s0  }
0xbe: {  	[sflag:s0] =	ssyncadd.remote.s32 $0x1  }
0xbf: {  	_ =	sfence.sel $0xFFFF  }
0xc0: {  	[dreg:$0x0] =	wrdreg $0xFFFFFFFF;
	(pc) =	sbr.abs _section_cstart, $3  }
0xc1: {  	[dreg:$0x1] =	wrdreg $0xFFFFFFFF  }
0xc2: {  	_ =	task.clear_ibuf [dreg:s6], $0x2FFFF;
	_ =	strace $0x9FFFFFFF  }
0xc3: {  	(tm) =	ssettm $0x7FFFFFFF  }
tec
execute0_lowered:
.L_overlay_start_1:
0x0: {  	(tag) =	ssettag $0x1  }
0x1: {  	s9 =	rddreg [dreg:$0x0]  }
0x2: {  	s1 =	rddreg [dreg:$0x1]  }
0x3: {  	s2 =	rddreg [dreg:$0x2];
	s3 =	simm.s32 $0x0  }
0x4: {  	v0 =	vimm.f32 $0.0e+00;
	[smem:$0x7FF] =	sst s3  }
0x5: {  	s0 =	rddreg [dreg:$0x3];
	_ =	strace $0x80000047;
	[tilespmem:$0x4A0] =	vst v0  }
0x6: {  	[tilespmem:$0x4B0] =	vst v0  }
0x7: {  	[tilespmem:$0x4C0] =	vst v0  }
0x8: {  	[tilespmem:$0x4D0] =	vst v0  }
0x9: {  	[tilespmem:$0x4E0] =	vst v0  }
0xa: {  	[tilespmem:$0x4F0] =	vst v0  }
0xb: {  	[tilespmem:$0x500] =	vst v0  }
0xc: {  	[tilespmem:$0x510] =	vst v0  }
0xd: {  	[tilespmem:$0x520] =	vst v0  }
0xe: {  	[tilespmem:$0x530] =	vst v0  }
0xf: {  	[tilespmem:$0x540] =	vst v0  }
0x10: {  	[tilespmem:$0x550] =	vst v0  }
0x11: {  	[tilespmem:$0x560] =	vst v0  }
0x12: {  	[tilespmem:$0x570] =	vst v0  }
0x13: {  	[tilespmem:$0x580] =	vst v0  }
0x14: {  	[tilespmem:$0x590] =	vst v0  }
0x15: {  	[tilespmem:$0x5A0] =	vst v0  }
0x16: {  	[tilespmem:$0x5B0] =	vst v0  }
0x17: {  	v1 =	vimm.f32 $1.000000000e+00;
	[tilespmem:$0x480] =	vst v0  }
0x18: {  	[tilespmem:$0x470] =	vst v1  }
0x19: {  	[tilespmem:$0x460] =	vst v1  }
0x1a: {  	[tilespmem:$0x450] =	vst v1  }
0x1b: {  	[tilespmem:$0x440] =	vst v1  }
0x1c: {  	[tilespmem:$0x430] =	vst v1  }
0x1d: {  	[tilespmem:$0x420] =	vst v1  }
0x1e: {  	[tilespmem:$0x410] =	vst v1  }
0x1f: {  	[tilespmem:$0x400] =	vst v1  }
0x20: {  	[tilespmem:$0x670] =	vst v0  }
0x21: {  	[tilespmem:$0x660] =	vst v0  }
0x22: {  	[tilespmem:$0x650] =	vst v0  }
0x23: {  	[tilespmem:$0x640] =	vst v0  }
0x24: {  	[tilespmem:$0x630] =	vst v0  }
0x25: {  	[tilespmem:$0x620] =	vst v0  }
0x26: {  	[tilespmem:$0x610] =	vst v0  }
0x27: {  	[tilespmem:$0x600] =	vst v0  }
0x28: {  	[tilespmem:$0x5F0] =	vst v0  }
0x29: {  	[tilespmem:$0x5E0] =	vst v0  }
0x2a: {  	s4 =	stileid.u32;
	[tilespmem:$0x5D0] =	vst v0  }
0x2b: {  	s8 =	srdreg.scid;
	s10 =	sshll.u32 s4, $0x9;
	[tilespmem:$0x5C0] =	vst v0  }
0x2c: {  	s7 =	simm.s32 $0x480;
	s6 =	simm.s32 $0x1;
	s5 =	sadd.s32 s10, s1;
	[tilespmem:$0x490] =	vst v0  }
0x2d: {  	[spmem:s5] =	stream.linear.scatter [tilespmem:s7], [sflag:$0x1], $0x200, $0x38;
	[tilespmem:$0xC80] =	vst v63  }
0x2e: {  	s20 =	sand.u32 $0x1, s8;
	_ =	swait.ge [sflag:s6], $0x200  }
0x2f: {  	s8 =	sshll.u32 s20, $0xD;
	[sflag:s6] =	ssyncset.done $0x0  }
0x30: {  	s11 =	sor.u32 s10, s8;
	s8 =	sadd.s32 s10, s2;
	[sflag:s6] =	ssyncadd.s32 $0xFFFFFE00  }
0x31: {  	[spmem:s8] =	stream.linear.scatter [tilespmem:s7], [sflag:$0x1], $0x200, $0x38;
	[tilespmem:$0xC80] =	vst v63  }
0x32: {  	s31 =	sshrl.u32 s11, $0x3;
	_ =	swait.ge [sflag:s6], $0x200  }
0x33: {  	s21 =	sadd.s32 s31, s9;
	[sflag:s6] =	ssyncset.done $0x0  }
0x34: {  	s9 =	sadd.s32 $0x1800, s21;
	[sflag:s6] =	ssyncadd.s32 $0xFFFFFE00  }
0x35: {  	[tilespmem:s3], [sflag:$0x1] =	stream.linear.gather [hbm4b:s9+s3], $0x200, $0x38;
	[tilespmem:$0xC80] =	vst v63  }
0x36: {  	_ =	swait.ge [sflag:s6], $0x200  }
0x37: {  	[sflag:s6] =	ssyncset.done $0x0  }
0x38: {  	s11 =	simm.s32 $0x200;
	s10 =	sadd.s32 $0x2000, s21;
	[sflag:s6] =	ssyncadd.s32 $0xFFFFFE00  }
0x39: {  	[tilespmem:s11], [sflag:$0x1] =	stream.linear.gather [hbm4b:s10+s3], $0x200, $0x38;
	[tilespmem:$0xC80] =	vst v63  }
0x3a: {  	_ =	swait.ge [sflag:s6], $0x200  }
0x3b: {  	[sflag:s6] =	ssyncset.done $0x0  }
0x3c: {  	[sflag:s6] =	ssyncadd.s32 $0xFFFFFE00  }
0x3d: {  	s12 =	simm.s32 $0x80;
	[bflag:$0x0] =	sbarrier.arrive $0xFFFF  }
0x3e: {  	[spmem:s1] =	stream.indirect.scatter.add.f32 [tilespmem:s3], [sflag:$0x1], $0x1, s11, s12, $0xb8;
	[tilespmem:$0xC80] =	vst v63  }
0x3f: {  	_ =	swait.ge [sflag:s6], $0x80  }
0x40: {  	[sflag:s6] =	ssyncset.done $0x0  }
0x41: {  	s13 =	simm.s32 $0x400;
	[sflag:s6] =	ssyncadd.s32 $0xFFFFFF80  }
0x42: {  	[spmem:s2] =	stream.indirect.scatter.add.f32 [tilespmem:s13], [sflag:$0x1], $0x1, s11, s12, $0xb8;
	[tilespmem:$0xC80] =	vst v63  }
0x43: {  	_ =	swait.ge [sflag:s6], $0x80  }
0x44: {  	[sflag:s6] =	ssyncset.done $0x0  }
0x45: {  	s14 =	simm.s32 $0x280;
	[sflag:s6] =	ssyncadd.s32 $0xFFFFFF80  }
0x46: {  	[spmem:s1] =	stream.indirect.scatter.add.f32 [tilespmem:s12], [sflag:$0x1], $0x1, s14, s12, $0xb8;
	[tilespmem:$0xC80] =	vst v63  }
0x47: {  	_ =	swait.ge [sflag:s6], $0x80  }
0x48: {  	[sflag:s6] =	ssyncset.done $0x0  }
0x49: {  	[sflag:s6] =	ssyncadd.s32 $0xFFFFFF80  }
0x4a: {  	[spmem:s2] =	stream.indirect.scatter.add.f32 [tilespmem:s13], [sflag:$0x1], $0x1, s14, s12, $0xb8;
	[tilespmem:$0xC80] =	vst v63  }
0x4b: {  	_ =	swait.ge [sflag:s6], $0x80  }
0x4c: {  	[sflag:s6] =	ssyncset.done $0x0  }
0x4d: {  	s15 =	simm.s32 $0x300;
	s16 =	simm.s32 $0x100;
	[sflag:s6] =	ssyncadd.s32 $0xFFFFFF80  }
0x4e: {  	[spmem:s1] =	stream.indirect.scatter.add.f32 [tilespmem:s16], [sflag:$0x1], $0x1, s15, s12, $0xb8;
	[tilespmem:$0xC80] =	vst v63  }
0x4f: {  	_ =	swait.ge [sflag:s6], $0x80  }
0x50: {  	[sflag:s6] =	ssyncset.done $0x0  }
0x51: {  	[sflag:s6] =	ssyncadd.s32 $0xFFFFFF80  }
0x52: {  	[spmem:s2] =	stream.indirect.scatter.add.f32 [tilespmem:s13], [sflag:$0x1], $0x1, s15, s12, $0xb8;
	[tilespmem:$0xC80] =	vst v63  }
0x53: {  	_ =	swait.ge [sflag:s6], $0x80  }
0x54: {  	[sflag:s6] =	ssyncset.done $0x0  }
0x55: {  	s17 =	simm.s32 $0x380;
	s18 =	simm.s32 $0x180;
	[sflag:s6] =	ssyncadd.s32 $0xFFFFFF80  }
0x56: {  	[spmem:s1] =	stream.indirect.scatter.add.f32 [tilespmem:s18], [sflag:$0x1], $0x1, s17, s12, $0xb8;
	[tilespmem:$0xC80] =	vst v63  }
0x57: {  	_ =	swait.ge [sflag:s6], $0x80  }
0x58: {  	[sflag:s6] =	ssyncset.done $0x0  }
0x59: {  	[sflag:s6] =	ssyncadd.s32 $0xFFFFFF80  }
0x5a: {  	[spmem:s2] =	stream.indirect.scatter.add.f32 [tilespmem:s13], [sflag:$0x1], $0x1, s17, s12, $0xb8;
	[tilespmem:$0xC80] =	vst v63  }
0x5b: {  	_ =	swait.ge [sflag:s6], $0x80  }
0x5c: {  	[sflag:s6] =	ssyncset.done $0x0  }
0x5d: {  	[sflag:s6] =	ssyncadd.s32 $0xFFFFFF80  }
0x5e: {  	[bflag:$0x0] =	sbarrier.arrive $0xFFFF  }
0x5f: {  	[tilespmem:s7], [sflag:$0x1] =	stream.linear.gather [spmem:s5], $0x200, $0x38;
	[tilespmem:$0xC80] =	vst v63  }
0x60: {  	_ =	swait.ge [sflag:s6], $0x200  }
0x61: {  	[sflag:s6] =	ssyncset.done $0x0  }
0x62: {  	s22 =	ssub.s32 $0x2, s20;
	s19 =	sadd.s32 $0x2800, s21;
	[sflag:s6] =	ssyncadd.s32 $0xFFFFFE00  }
0x63: {  	[hbm4b:s19+s3] =	stream.linear.scatter [tilespmem:s7], [sflag:$0x1], $0x200, $0x38;
	[tilespmem:$0xC80] =	vst v63  }
0x64: {  	s23 =	sshrl.u32 s22, $0x1;
	_ =	swait.ge [sflag:s6], $0x200  }
0x65: {  	s22 =	ssub.s32 s22, s23;
	[sflag:s6] =	ssyncset.done $0x0  }
0x66: {  	s20 =	simm.s32 $0x680;
	s22 =	smax.u32 s22, $0x1;
	[sflag:s6] =	ssyncadd.s32 $0xFFFFFE00  }
0x67: {  	[tilespmem:s20], [sflag:$0x1] =	stream.linear.gather [spmem:s8], $0x200, $0x38;
	[tilespmem:$0xC80] =	vst v63  }
0x68: {  	p0 =	sne.s32 s22, $0x1;
	_ =	swait.ge [sflag:s6], $0x200  }
.Ltmp0:
0x69: {  	[sflag:s6] =	ssyncset.done $0x0;
	(pc) =	sbr.rel @!p0 .LBB2_2-.Ltmp0, $4  }
0x6a: {  	s21 =	sadd.s32 $0x3000, s21;
	[sflag:s6] =	ssyncadd.s32 $0xFFFFFE00  }
0x6b: {  	[hbm4b:s21+s3] =	stream.linear.scatter [tilespmem:s20], [sflag:$0x1], $0x200, $0x38;
	[tilespmem:$0xC80] =	vst v63  }
0x6c: {  	_ =	swait.ge [sflag:s6], $0x200  }
0x6d: {  	s22 =	sadd.s32 $0xFFFFFFFF, s22;
	[sflag:s6] =	ssyncset.done $0x0  }
.LBB2_1:
0x6e: {  	p0 =	sne.s32 s22, $0x1;
	s22 =	sadd.s32 $0xFFFFFFFF, s22;
	[sflag:s6] =	ssyncadd.s32 $0xFFFFFE00  }
0x6f: {  	[tilespmem:$0x4A0] =	vst v0  }
0x70: {  	[tilespmem:$0x4B0] =	vst v0  }
0x71: {  	[tilespmem:$0x4C0] =	vst v0  }
0x72: {  	[tilespmem:$0x4D0] =	vst v0  }
0x73: {  	[tilespmem:$0x4E0] =	vst v0  }
0x74: {  	[tilespmem:$0x4F0] =	vst v0  }
0x75: {  	[tilespmem:$0x500] =	vst v0  }
0x76: {  	[tilespmem:$0x510] =	vst v0  }
0x77: {  	[tilespmem:$0x520] =	vst v0  }
0x78: {  	[tilespmem:$0x530] =	vst v0  }
0x79: {  	[tilespmem:$0x540] =	vst v0  }
0x7a: {  	[tilespmem:$0x550] =	vst v0  }
0x7b: {  	[tilespmem:$0x560] =	vst v0  }
0x7c: {  	[tilespmem:$0x570] =	vst v0  }
0x7d: {  	[tilespmem:$0x580] =	vst v0  }
0x7e: {  	[tilespmem:$0x590] =	vst v0  }
0x7f: {  	[tilespmem:$0x5A0] =	vst v0  }
0x80: {  	[tilespmem:$0x5B0] =	vst v0  }
0x81: {  	[tilespmem:$0x480] =	vst v0  }
0x82: {  	[tilespmem:$0x470] =	vst v1  }
0x83: {  	[tilespmem:$0x460] =	vst v1  }
0x84: {  	[tilespmem:$0x450] =	vst v1  }
0x85: {  	[tilespmem:$0x440] =	vst v1  }
0x86: {  	[tilespmem:$0x430] =	vst v1  }
0x87: {  	[tilespmem:$0x420] =	vst v1  }
0x88: {  	[tilespmem:$0x410] =	vst v1  }
0x89: {  	[tilespmem:$0x400] =	vst v1  }
0x8a: {  	[tilespmem:$0x670] =	vst v0  }
0x8b: {  	[tilespmem:$0x660] =	vst v0  }
0x8c: {  	[tilespmem:$0x650] =	vst v0  }
0x8d: {  	[tilespmem:$0x640] =	vst v0  }
0x8e: {  	[tilespmem:$0x630] =	vst v0  }
0x8f: {  	[tilespmem:$0x620] =	vst v0  }
0x90: {  	[tilespmem:$0x610] =	vst v0  }
0x91: {  	[tilespmem:$0x600] =	vst v0  }
0x92: {  	[tilespmem:$0x5F0] =	vst v0  }
0x93: {  	[tilespmem:$0x5E0] =	vst v0  }
0x94: {  	[tilespmem:$0x5D0] =	vst v0  }
0x95: {  	[tilespmem:$0x5C0] =	vst v0  }
0x96: {  	[tilespmem:$0x490] =	vst v0  }
0x97: {  	[spmem:s5] =	stream.linear.scatter [tilespmem:s7], [sflag:$0x1], $0x200, $0x38;
	[tilespmem:$0xC80] =	vst v63  }
0x98: {  	_ =	swait.ge [sflag:s6], $0x200  }
0x99: {  	[sflag:s6] =	ssyncset.done $0x0  }
0x9a: {  	[sflag:s6] =	ssyncadd.s32 $0xFFFFFE00  }
0x9b: {  	[spmem:s8] =	stream.linear.scatter [tilespmem:s7], [sflag:$0x1], $0x200, $0x38;
	[tilespmem:$0xC80] =	vst v63  }
0x9c: {  	_ =	swait.ge [sflag:s6], $0x200  }
0x9d: {  	[sflag:s6] =	ssyncset.done $0x0  }
0x9e: {  	[sflag:s6] =	ssyncadd.s32 $0xFFFFFE00  }
0x9f: {  	[tilespmem:s3], [sflag:$0x1] =	stream.linear.gather [hbm4b:s9+s3], $0x200, $0x38;
	[tilespmem:$0xC80] =	vst v63  }
0xa0: {  	_ =	swait.ge [sflag:s6], $0x200  }
0xa1: {  	[sflag:s6] =	ssyncset.done $0x0  }
0xa2: {  	[sflag:s6] =	ssyncadd.s32 $0xFFFFFE00  }
0xa3: {  	[tilespmem:s11], [sflag:$0x1] =	stream.linear.gather [hbm4b:s10+s3], $0x200, $0x38;
	[tilespmem:$0xC80] =	vst v63  }
0xa4: {  	_ =	swait.ge [sflag:s6], $0x200  }
0xa5: {  	[sflag:s6] =	ssyncset.done $0x0  }
0xa6: {  	[sflag:s6] =	ssyncadd.s32 $0xFFFFFE00  }
0xa7: {  	[bflag:$0x0] =	sbarrier.arrive $0xFFFF  }
0xa8: {  	[spmem:s1] =	stream.indirect.scatter.add.f32 [tilespmem:s3], [sflag:$0x1], $0x1, s11, s12, $0xb8;
	[tilespmem:$0xC80] =	vst v63  }
0xa9: {  	_ =	swait.ge [sflag:s6], $0x80  }
0xaa: {  	[sflag:s6] =	ssyncset.done $0x0  }
0xab: {  	[sflag:s6] =	ssyncadd.s32 $0xFFFFFF80  }
0xac: {  	[spmem:s2] =	stream.indirect.scatter.add.f32 [tilespmem:s13], [sflag:$0x1], $0x1, s11, s12, $0xb8;
	[tilespmem:$0xC80] =	vst v63  }
0xad: {  	_ =	swait.ge [sflag:s6], $0x80  }
0xae: {  	[sflag:s6] =	ssyncset.done $0x0  }
0xaf: {  	[sflag:s6] =	ssyncadd.s32 $0xFFFFFF80  }
0xb0: {  	[spmem:s1] =	stream.indirect.scatter.add.f32 [tilespmem:s12], [sflag:$0x1], $0x1, s14, s12, $0xb8;
	[tilespmem:$0xC80] =	vst v63  }
0xb1: {  	_ =	swait.ge [sflag:s6], $0x80  }
0xb2: {  	[sflag:s6] =	ssyncset.done $0x0  }
0xb3: {  	[sflag:s6] =	ssyncadd.s32 $0xFFFFFF80  }
0xb4: {  	[spmem:s2] =	stream.indirect.scatter.add.f32 [tilespmem:s13], [sflag:$0x1], $0x1, s14, s12, $0xb8;
	[tilespmem:$0xC80] =	vst v63  }
0xb5: {  	_ =	swait.ge [sflag:s6], $0x80  }
0xb6: {  	[sflag:s6] =	ssyncset.done $0x0  }
0xb7: {  	[sflag:s6] =	ssyncadd.s32 $0xFFFFFF80  }
0xb8: {  	[spmem:s1] =	stream.indirect.scatter.add.f32 [tilespmem:s16], [sflag:$0x1], $0x1, s15, s12, $0xb8;
	[tilespmem:$0xC80] =	vst v63  }
0xb9: {  	_ =	swait.ge [sflag:s6], $0x80  }
0xba: {  	[sflag:s6] =	ssyncset.done $0x0  }
0xbb: {  	[sflag:s6] =	ssyncadd.s32 $0xFFFFFF80  }
0xbc: {  	[spmem:s2] =	stream.indirect.scatter.add.f32 [tilespmem:s13], [sflag:$0x1], $0x1, s15, s12, $0xb8;
	[tilespmem:$0xC80] =	vst v63  }
0xbd: {  	_ =	swait.ge [sflag:s6], $0x80  }
0xbe: {  	[sflag:s6] =	ssyncset.done $0x0  }
0xbf: {  	[sflag:s6] =	ssyncadd.s32 $0xFFFFFF80  }
0xc0: {  	[spmem:s1] =	stream.indirect.scatter.add.f32 [tilespmem:s18], [sflag:$0x1], $0x1, s17, s12, $0xb8;
	[tilespmem:$0xC80] =	vst v63  }
0xc1: {  	_ =	swait.ge [sflag:s6], $0x80  }
0xc2: {  	[sflag:s6] =	ssyncset.done $0x0  }
0xc3: {  	[sflag:s6] =	ssyncadd.s32 $0xFFFFFF80  }
0xc4: {  	[spmem:s2] =	stream.indirect.scatter.add.f32 [tilespmem:s13], [sflag:$0x1], $0x1, s17, s12, $0xb8;
	[tilespmem:$0xC80] =	vst v63  }
0xc5: {  	_ =	swait.ge [sflag:s6], $0x80  }
0xc6: {  	[sflag:s6] =	ssyncset.done $0x0  }
0xc7: {  	[sflag:s6] =	ssyncadd.s32 $0xFFFFFF80  }
0xc8: {  	[bflag:$0x0] =	sbarrier.arrive $0xFFFF  }
0xc9: {  	[tilespmem:s7], [sflag:$0x1] =	stream.linear.gather [spmem:s5], $0x200, $0x38;
	[tilespmem:$0xC80] =	vst v63  }
0xca: {  	_ =	swait.ge [sflag:s6], $0x200  }
0xcb: {  	[sflag:s6] =	ssyncset.done $0x0  }
0xcc: {  	[sflag:s6] =	ssyncadd.s32 $0xFFFFFE00  }
0xcd: {  	[hbm4b:s19+s3] =	stream.linear.scatter [tilespmem:s7], [sflag:$0x1], $0x200, $0x38;
	[tilespmem:$0xC80] =	vst v63  }
0xce: {  	_ =	swait.ge [sflag:s6], $0x200  }
0xcf: {  	[sflag:s6] =	ssyncset.done $0x0  }
0xd0: {  	[sflag:s6] =	ssyncadd.s32 $0xFFFFFE00  }
0xd1: {  	[tilespmem:s20], [sflag:$0x1] =	stream.linear.gather [spmem:s8], $0x200, $0x38;
	[tilespmem:$0xC80] =	vst v63  }
0xd2: {  	_ =	swait.ge [sflag:s6], $0x200  }
.Ltmp1:
0xd3: {  	[sflag:s6] =	ssyncset.done $0x0;
	(pc) =	sbr.rel @p0 .LBB2_1-.Ltmp1, $4  }
0xd4: {  	[sflag:s6] =	ssyncadd.s32 $0xFFFFFE00  }
0xd5: {  	[hbm4b:s21+s3] =	stream.linear.scatter [tilespmem:s20], [sflag:$0x1], $0x200, $0x38;
	[tilespmem:$0xC80] =	vst v63  }
0xd6: {  	_ =	swait.ge [sflag:s6], $0x200  }
0xd7: {  	[sflag:s6] =	ssyncset.done $0x0  }
.LBB2_2:
0xd8: {  	[sflag:s6] =	ssyncadd.s32 $0xFFFFFE00  }
0xd9: {  	_ =	sfence.sel $0x180000  }
0xda: {  	[bflag:$0x0] =	sbarrier.arrive $0xFFFF  }
0xdb: {  	p0 =	sne.s32 s4, $0x0;
	_ =	strace $0x90000047  }
0xdc: {  	s0 =	sadd.s32 @!p0 $0x100000, s0;
	[bflag:$0x2] =	sbarrier.arrive $0xFFFF  }
0xdd: {  	[sflag:s0] =	ssyncadd.tile.s32 @!p0 $0x1;
	_ =	shalt  }
.Lfunc_end2:
_tile_overlayer_lowered:
.L_overlay_start_2:
0xde: {  	(tag) =	ssettag $0x2  }
0xdf: {  	s0 =	rddreg [dreg:$0x0];
	s2 =	stileid.u32  }
0xe0: {  	s1 =	rddreg [dreg:$0x1];
	p0 =	sne.s32 s2, $0x0  }
0xe1: {  	s3 =	rddreg [dreg:$0x2];
	[bflag:$0x3] =	sbarrier.arrive $0xFFFF;
	s2 =	simm.s32 @!p0 $0x1C01  }
0xe2: {  	[timem:s3], [sflag:s2] =	dma.local @!p0 [hbm:s0], s1  }
0xe3: {  	s0 =	simm.s32 @!p0 $0x1  }
0xe4: {  	_ =	swait.ge @!p0 [sflag:s0], s1  }
0xe5: {  	s1 =	ssub.s32 @!p0 $0x0, s1;
	[sflag:s0] =	ssyncset.done @!p0 $0x0  }
0xe6: {  	[sflag:s0] =	ssyncadd.s32 @!p0 s1  }
0xe7: {  	[bflag:$0x3] =	sbarrier.arrive $0xFFFF  }
0xe8: {  	_ =	shalt  }

</sc_bundles>
